<compile_context>
chip_gen: v7x
topology: tpu7x:2x2x1
jax: 0.10.2.dev20260603
libtpu: 0.0.44.dev20260713+nightly
codegen_flags: <defaults>
</compile_context>

<pallas_src>
import functools

import jax
import jax.numpy as jnp
from jax import lax
from jax.experimental import pallas as pl
from jax.experimental.pallas import tpu as pltpu
from jax.experimental.pallas import tpu_sc as plsc

B = 16384
D = 32
N_ROWS = 100000
NC, NS, L = 2, 16, 16
NW = NC * NS
HALF = B // 2

_mesh = plsc.VectorSubcoreMesh(core_axis_name="c", subcore_axis_name="s")


@functools.partial(
    pl.kernel,
    out_type=[jax.ShapeDtypeStruct((D, B), jnp.float32)] * 4,
    mesh=_mesh,
    compiler_params=pltpu.CompilerParams(needs_layout_passes=False),
    scratch_types=[
        pltpu.VMEM((N_ROWS,), jnp.float32),
        pltpu.VMEM((HALF,), jnp.int32),
        pltpu.VMEM((HALF,), jnp.float32),
    ],
)
def _sc_gather(u_hbm, i_hbm, ugT, igT, umT, imT,
               guT, giT, muT, miT,
               dimrow, idx, obuf):
    wid = lax.axis_index("s") * NC + lax.axis_index("c")

    def gath(k, carry):
        iv = idx[pl.ds(k * 16, 16)]
        obuf[pl.ds(k * 16, 16)] = plsc.load_gather(dimrow, [iv])
        return carry

    for tab, which, out in ((ugT, 0, guT), (umT, 0, muT),
                            (igT, 1, giT), (imT, 1, miT)):
        pltpu.sync_copy(tab.at[wid], dimrow)
        for h in range(2):
            pltpu.sync_copy((u_hbm if which == 0 else i_hbm)
                            .at[pl.ds(h * HALF, HALF)], idx)
            lax.fori_loop(0, HALF // 16, gath, 0, unroll=4)
            pltpu.sync_copy(obuf, out.at[wid, pl.ds(h * HALF, HALF)])


BLK = 2048


def _tc_mlp(gu, gi, mu, mi, w1u, w1i, b1, w2, b2, w3, b3, whg, whx, bh, out):
    f32 = jnp.float32
    x1 = jnp.maximum(jnp.dot(w1u[...], mu[...], preferred_element_type=f32)
                     + jnp.dot(w1i[...], mi[...], preferred_element_type=f32)
                     + b1[...], 0.0)
    x2 = jnp.maximum(jnp.dot(w2[...], x1, preferred_element_type=f32) + b2[...], 0.0)
    x3 = jnp.maximum(jnp.dot(w3[...], x2, preferred_element_type=f32) + b3[...], 0.0)
    gmf = gu[...] * gi[...]
    out[...] = (jnp.dot(whg[...], gmf, preferred_element_type=f32)
                + jnp.dot(whx[...], x3, preferred_element_type=f32)
                + bh[...])


def kernel(u, i, user_gmf, item_gmf, user_mlp, item_mlp,
           W1, b1, W2, b2, W3, b3, Wh, bh):
    u = u.astype(jnp.int32)
    i = i.astype(jnp.int32)
    gu, gi, mu, mi = _sc_gather(u, i, user_gmf.T, item_gmf.T,
                                user_mlp.T, item_mlp.T)

    col = lambda bs: pl.BlockSpec(bs, lambda b: (0, b))
    full = lambda bs: pl.BlockSpec(bs, lambda b: (0, 0))
    out2 = pl.pallas_call(
        _tc_mlp,
        grid=(B // BLK,),
        in_specs=[col((D, BLK))] * 4 + [
            full((64, D)), full((64, D)), full((64, 1)),
            full((32, 64)), full((32, 1)),
            full((16, 32)), full((16, 1)),
            full((1, D)), full((1, 16)), full((1, 1)),
        ],
        out_specs=col((1, BLK)),
        out_shape=jax.ShapeDtypeStruct((1, B), jnp.float32),
    )(gu, gi, mu, mi,
      W1[:D].T, W1[D:].T, b1.reshape(64, 1),
      W2.T, b2.reshape(32, 1),
      W3.T, b3.reshape(16, 1),
      Wh[:D].T, Wh[D:].T, bh.reshape(1, 1))
    return out2.reshape(B)

# --- scband reference (transcript-rebuilt; emitter-appended) ---
"""Pipeline reference for scband-neu-mf-10685878632588 (READ-ONLY COPY).

The authoritative reference and input builder live on the scoring server;
editing this copy changes nothing except your own understanding.
"""

import jax, jax.numpy as jnp
import numpy as np

N_USERS = 100000
N_ITEMS = 100000
D = 32
BATCH = 16384
MLP_DIMS = (64, 32, 16)


def setup_inputs(seed: int = 0) -> dict:
    key = jax.random.key(seed)
    ks = jax.random.split(key, 16)
    u = jax.random.randint(ks[0], (BATCH,), 0, N_USERS, dtype=jnp.int64 if jax.config.jax_enable_x64 else jnp.int32)
    i = jax.random.randint(ks[1], (BATCH,), 0, N_ITEMS, dtype=jnp.int64 if jax.config.jax_enable_x64 else jnp.int32)
    user_gmf = jax.random.normal(ks[2], (N_USERS, D), dtype=jnp.float32) * 0.01
    item_gmf = jax.random.normal(ks[3], (N_ITEMS, D), dtype=jnp.float32) * 0.01
    user_mlp = jax.random.normal(ks[4], (N_USERS, D), dtype=jnp.float32) * 0.01
    item_mlp = jax.random.normal(ks[5], (N_ITEMS, D), dtype=jnp.float32) * 0.01
    # MLP: (2*D=64) -> 64 -> 32 -> 16  (stored as [in, out]; x @ W + b matches torch Linear math)
    W1 = jax.random.normal(ks[6], (2 * D, MLP_DIMS[0]), dtype=jnp.float32) * (1.0 / np.sqrt(2 * D))
    b1 = jnp.zeros((MLP_DIMS[0],), dtype=jnp.float32)
    W2 = jax.random.normal(ks[7], (MLP_DIMS[0], MLP_DIMS[1]), dtype=jnp.float32) * (1.0 / np.sqrt(MLP_DIMS[0]))
    b2 = jnp.zeros((MLP_DIMS[1],), dtype=jnp.float32)
    W3 = jax.random.normal(ks[8], (MLP_DIMS[1], MLP_DIMS[2]), dtype=jnp.float32) * (1.0 / np.sqrt(MLP_DIMS[1]))
    b3 = jnp.zeros((MLP_DIMS[2],), dtype=jnp.float32)
    # head: (D + mlp_dims[-1] = 48) -> 1
    Wh = jax.random.normal(ks[9], (D + MLP_DIMS[2], 1), dtype=jnp.float32) * (1.0 / np.sqrt(D + MLP_DIMS[2]))
    bh = jnp.zeros((1,), dtype=jnp.float32)
    return {
        "u": u, "i": i,
        "user_gmf": user_gmf, "item_gmf": item_gmf,
        "user_mlp": user_mlp, "item_mlp": item_mlp,
        "W1": W1, "b1": b1, "W2": W2, "b2": b2, "W3": W3, "b3": b3,
        "Wh": Wh, "bh": bh,
    }


def reference(u, i, user_gmf, item_gmf, user_mlp, item_mlp, W1, b1, W2, b2, W3, b3, Wh, bh):
    # GMF branch: elementwise product of gathered embeddings
    gmf = jnp.take(user_gmf, u, axis=0) * jnp.take(item_gmf, i, axis=0)
    # MLP branch (dropout is identity in eval mode)
    x = jnp.concatenate([jnp.take(user_mlp, u, axis=0), jnp.take(item_mlp, i, axis=0)], axis=-1)
    x = jax.nn.relu(x @ W1 + b1)
    x = jax.nn.relu(x @ W2 + b2)
    x = jax.nn.relu(x @ W3 + b3)
    out = (jnp.concatenate([gmf, x], axis=-1) @ Wh + bh)
    return out.squeeze(-1)

if __name__ == "__main__":
    import jax
    _d = setup_inputs()
    print(jax.jit(kernel)(*tuple(_d.values())))

</pallas_src>

<mosaic_0001>
#map = affine_map<(d0, d1) -> (0)>
#map1 = affine_map<(d0, d1) -> (0, 0)>
module attributes {stable_mosaic.version = 14 : i64} {
  func.func @_sc_gather(%arg0: i32, %arg1: i32, %arg2: memref<16384xi32, #tpu.memory_space<hbm>>, %arg3: memref<16384xi32, #tpu.memory_space<hbm>>, %arg4: memref<32x100000xf32, #tpu.memory_space<hbm>>, %arg5: memref<32x100000xf32, #tpu.memory_space<hbm>>, %arg6: memref<32x100000xf32, #tpu.memory_space<hbm>>, %arg7: memref<32x100000xf32, #tpu.memory_space<hbm>>, %arg8: memref<32x16384xf32, #tpu.memory_space<hbm>>, %arg9: memref<32x16384xf32, #tpu.memory_space<hbm>>, %arg10: memref<32x16384xf32, #tpu.memory_space<hbm>>, %arg11: memref<32x16384xf32, #tpu.memory_space<hbm>>, %arg12: memref<100000xf32, #tpu.memory_space<vmem>>, %arg13: memref<8192xi32, #tpu.memory_space<vmem>>, %arg14: memref<8192xf32, #tpu.memory_space<vmem>>) attributes {dimension_semantics = [#tpu.dimension_semantics<core_parallel>, #tpu.dimension_semantics<subcore_parallel>], iteration_bounds = array<i64: 2, 16>, scalar_prefetch = 0 : i64, scratch_operands = 3 : i64, tpu.core_type = #tpu.core_type<sc_vector_subcore>, window_params = [{transform_indices = #map}, {transform_indices = #map}, {transform_indices = #map1}, {transform_indices = #map1}, {transform_indices = #map1}, {transform_indices = #map1}, {transform_indices = #map1}, {transform_indices = #map1}, {transform_indices = #map1}, {transform_indices = #map1}]} {
    %mul3A = arith.constant 2 : i32
    %mul3A_0 = arith.muli %arg1, %mul3A : i32
    %add3A = arith.addi %mul3A_0, %arg0 : i32
    "tpu.region"() ({
      %run_scoped3A = tpu.sem_alloc : memref<!tpu.dma_semaphore, #tpu.memory_space<semaphore_mem>>
      %dma_start3A = arith.constant 0 : i32
      %dma_start3A_48 = tpu.memref_slice %arg4[%add3A, %dma_start3A] : memref<32x100000xf32, #tpu.memory_space<hbm>> -> memref<1x100000xf32, #tpu.memory_space<hbm>>
      %dma_start3A_49 = tpu.memref_squeeze %dma_start3A_48 : memref<1x100000xf32, #tpu.memory_space<hbm>> -> memref<100000xf32, #tpu.memory_space<hbm>>
      %dma_start3A_50 = arith.constant 0 : i32
      %dma_start3A_51 = tpu.memref_slice %arg4[%add3A, %dma_start3A_50] : memref<32x100000xf32, #tpu.memory_space<hbm>> -> memref<1x100000xf32, #tpu.memory_space<hbm>>
      %dma_start3A_52 = tpu.memref_squeeze %dma_start3A_51 : memref<1x100000xf32, #tpu.memory_space<hbm>> -> memref<100000xf32, #tpu.memory_space<hbm>>
      tpu.enqueue_dma source(%dma_start3A_52 : memref<100000xf32, #tpu.memory_space<hbm>>) target(%arg12 : memref<100000xf32, #tpu.memory_space<vmem>>) target_semaphore(%run_scoped3A : memref<!tpu.dma_semaphore, #tpu.memory_space<semaphore_mem>>)
      %dma_wait3A = arith.constant 0 : i32
      %dma_wait3A_53 = tpu.memref_slice %arg4[%add3A, %dma_wait3A] : memref<32x100000xf32, #tpu.memory_space<hbm>> -> memref<1x100000xf32, #tpu.memory_space<hbm>>
      %dma_wait3A_54 = tpu.memref_squeeze %dma_wait3A_53 : memref<1x100000xf32, #tpu.memory_space<hbm>> -> memref<100000xf32, #tpu.memory_space<hbm>>
      %dma_wait3A_55 = arith.constant 0 : i32
      %dma_wait3A_56 = tpu.memref_slice %arg4[%add3A, %dma_wait3A_55] : memref<32x100000xf32, #tpu.memory_space<hbm>> -> memref<1x100000xf32, #tpu.memory_space<hbm>>
      %dma_wait3A_57 = tpu.memref_squeeze %dma_wait3A_56 : memref<1x100000xf32, #tpu.memory_space<hbm>> -> memref<100000xf32, #tpu.memory_space<hbm>>
      tpu.wait_dma2 semaphore(%run_scoped3A : memref<!tpu.dma_semaphore, #tpu.memory_space<semaphore_mem>>) src(%dma_wait3A_57 : memref<100000xf32, #tpu.memory_space<hbm>>) dst(%arg12 : memref<100000xf32, #tpu.memory_space<vmem>>)
      tpu.yield
    }) : () -> ()
    "tpu.region"() ({
      %run_scoped3A = tpu.sem_alloc : memref<!tpu.dma_semaphore, #tpu.memory_space<semaphore_mem>>
      %dma_start3A = arith.constant 0 : i32
      %dma_start3A_48 = tpu.memref_slice %arg2[%dma_start3A] : memref<16384xi32, #tpu.memory_space<hbm>> -> memref<8192xi32, #tpu.memory_space<hbm>>
      %dma_start3A_49 = arith.constant 0 : i32
      %dma_start3A_50 = tpu.memref_slice %arg2[%dma_start3A_49] : memref<16384xi32, #tpu.memory_space<hbm>> -> memref<8192xi32, #tpu.memory_space<hbm>>
      tpu.enqueue_dma source(%dma_start3A_50 : memref<8192xi32, #tpu.memory_space<hbm>>) target(%arg13 : memref<8192xi32, #tpu.memory_space<vmem>>) target_semaphore(%run_scoped3A : memref<!tpu.dma_semaphore, #tpu.memory_space<semaphore_mem>>)
      %dma_wait3A = arith.constant 0 : i32
      %dma_wait3A_51 = tpu.memref_slice %arg2[%dma_wait3A] : memref<16384xi32, #tpu.memory_space<hbm>> -> memref<8192xi32, #tpu.memory_space<hbm>>
      %dma_wait3A_52 = arith.constant 0 : i32
      %dma_wait3A_53 = tpu.memref_slice %arg2[%dma_wait3A_52] : memref<16384xi32, #tpu.memory_space<hbm>> -> memref<8192xi32, #tpu.memory_space<hbm>>
      tpu.wait_dma2 semaphore(%run_scoped3A : memref<!tpu.dma_semaphore, #tpu.memory_space<semaphore_mem>>) src(%dma_wait3A_53 : memref<8192xi32, #tpu.memory_space<hbm>>) dst(%arg13 : memref<8192xi32, #tpu.memory_space<vmem>>)
      tpu.yield
    }) : () -> ()
    %scan3A = arith.constant 0 : i32
    %scan3A_1 = arith.constant 0 : i32
    %scan3A_2 = arith.constant 512 : i32
    %scan3A_3 = arith.addi %scan3A_1, %scan3A_2 : i32
    %scan3A_4 = arith.constant 4 : i32
    scf.for %scan3A_48 = %scan3A_1 to %scan3A_3 step %scan3A_4  : i32 {
      %mul3A_49 = arith.constant 16 : i32
      %mul3A_50 = arith.muli %scan3A_48, %mul3A_49 : i32
      %get3A = arith.index_cast %mul3A_50 : i32 to index
      %get3A_51 = tpu.vector_load %arg13[%get3A] {strides = array<i32>} : memref<8192xi32, #tpu.memory_space<vmem>>, vector<16xi32>,
      %gather3A = tpu.vector_load_idx %arg12[%get3A_51] : memref<100000xf32, #tpu.memory_space<vmem>>[vector<16xi32>], vector<16xf32>,
      %mul3A_52 = arith.constant 16 : i32
      %mul3A_53 = arith.muli %scan3A_48, %mul3A_52 : i32
      %swap3A = arith.index_cast %mul3A_53 : i32 to index
      %swap3A_54 = tpu.vector_load %arg14[%swap3A] {strides = array<i32>} : memref<8192xf32, #tpu.memory_space<vmem>>, vector<16xf32>,
      tpu.vector_store %arg14[%swap3A], %gather3A {strides = array<i32>} : memref<8192xf32, #tpu.memory_space<vmem>>, vector<16xf32>,
      %scan3A_55 = arith.constant 1 : i32
      %scan3A_56 = arith.addi %scan3A_48, %scan3A_55 : i32
      %mul3A_57 = arith.constant 16 : i32
      %mul3A_58 = arith.muli %scan3A_56, %mul3A_57 : i32
      %get3A_59 = arith.index_cast %mul3A_58 : i32 to index
      %get3A_60 = tpu.vector_load %arg13[%get3A_59] {strides = array<i32>} : memref<8192xi32, #tpu.memory_space<vmem>>, vector<16xi32>,
      %gather3A_61 = tpu.vector_load_idx %arg12[%get3A_60] : memref<100000xf32, #tpu.memory_space<vmem>>[vector<16xi32>], vector<16xf32>,
      %mul3A_62 = arith.constant 16 : i32
      %mul3A_63 = arith.muli %scan3A_56, %mul3A_62 : i32
      %swap3A_64 = arith.index_cast %mul3A_63 : i32 to index
      %swap3A_65 = tpu.vector_load %arg14[%swap3A_64] {strides = array<i32>} : memref<8192xf32, #tpu.memory_space<vmem>>, vector<16xf32>,
      tpu.vector_store %arg14[%swap3A_64], %gather3A_61 {strides = array<i32>} : memref<8192xf32, #tpu.memory_space<vmem>>, vector<16xf32>,
      %scan3A_66 = arith.constant 2 : i32
      %scan3A_67 = arith.addi %scan3A_48, %scan3A_66 : i32
      %mul3A_68 = arith.constant 16 : i32
      %mul3A_69 = arith.muli %scan3A_67, %mul3A_68 : i32
      %get3A_70 = arith.index_cast %mul3A_69 : i32 to index
      %get3A_71 = tpu.vector_load %arg13[%get3A_70] {strides = array<i32>} : memref<8192xi32, #tpu.memory_space<vmem>>, vector<16xi32>,
      %gather3A_72 = tpu.vector_load_idx %arg12[%get3A_71] : memref<100000xf32, #tpu.memory_space<vmem>>[vector<16xi32>], vector<16xf32>,
      %mul3A_73 = arith.constant 16 : i32
      %mul3A_74 = arith.muli %scan3A_67, %mul3A_73 : i32
      %swap3A_75 = arith.index_cast %mul3A_74 : i32 to index
      %swap3A_76 = tpu.vector_load %arg14[%swap3A_75] {strides = array<i32>} : memref<8192xf32, #tpu.memory_space<vmem>>, vector<16xf32>,
      tpu.vector_store %arg14[%swap3A_75], %gather3A_72 {strides = array<i32>} : memref<8192xf32, #tpu.memory_space<vmem>>, vector<16xf32>,
      %scan3A_77 = arith.constant 3 : i32
      %scan3A_78 = arith.addi %scan3A_48, %scan3A_77 : i32
      %mul3A_79 = arith.constant 16 : i32
      %mul3A_80 = arith.muli %scan3A_78, %mul3A_79 : i32
      %get3A_81 = arith.index_cast %mul3A_80 : i32 to index
      %get3A_82 = tpu.vector_load %arg13[%get3A_81] {strides = array<i32>} : memref<8192xi32, #tpu.memory_space<vmem>>, vector<16xi32>,
      %gather3A_83 = tpu.vector_load_idx %arg12[%get3A_82] : memref<100000xf32, #tpu.memory_space<vmem>>[vector<16xi32>], vector<16xf32>,
      %mul3A_84 = arith.constant 16 : i32
      %mul3A_85 = arith.muli %scan3A_78, %mul3A_84 : i32
      %swap3A_86 = arith.index_cast %mul3A_85 : i32 to index
      %swap3A_87 = tpu.vector_load %arg14[%swap3A_86] {strides = array<i32>} : memref<8192xf32, #tpu.memory_space<vmem>>, vector<16xf32>,
      tpu.vector_store %arg14[%swap3A_86], %gather3A_83 {strides = array<i32>} : memref<8192xf32, #tpu.memory_space<vmem>>, vector<16xf32>,
    }
    %scan3A_5 = arith.constant 512 : i32
    "tpu.region"() ({
      %run_scoped3A = tpu.sem_alloc : memref<!tpu.dma_semaphore, #tpu.memory_space<semaphore_mem>>
      %dma_start3A = arith.constant 0 : i32
      %dma_start3A_48 = tpu.memref_slice %arg8[%add3A, %dma_start3A] : memref<32x16384xf32, #tpu.memory_space<hbm>> -> memref<1x8192xf32, #tpu.memory_space<hbm>>
      %dma_start3A_49 = tpu.memref_squeeze %dma_start3A_48 : memref<1x8192xf32, #tpu.memory_space<hbm>> -> memref<8192xf32, #tpu.memory_space<hbm>>
      %dma_start3A_50 = arith.constant 0 : i32
      %dma_start3A_51 = tpu.memref_slice %arg8[%add3A, %dma_start3A_50] : memref<32x16384xf32, #tpu.memory_space<hbm>> -> memref<1x8192xf32, #tpu.memory_space<hbm>>
      %dma_start3A_52 = tpu.memref_squeeze %dma_start3A_51 : memref<1x8192xf32, #tpu.memory_space<hbm>> -> memref<8192xf32, #tpu.memory_space<hbm>>
      tpu.enqueue_dma source(%arg14 : memref<8192xf32, #tpu.memory_space<vmem>>) target(%dma_start3A_52 : memref<8192xf32, #tpu.memory_space<hbm>>) target_semaphore(%run_scoped3A : memref<!tpu.dma_semaphore, #tpu.memory_space<semaphore_mem>>)
      %dma_wait3A = arith.constant 0 : i32
      %dma_wait3A_53 = tpu.memref_slice %arg8[%add3A, %dma_wait3A] : memref<32x16384xf32, #tpu.memory_space<hbm>> -> memref<1x8192xf32, #tpu.memory_space<hbm>>
      %dma_wait3A_54 = tpu.memref_squeeze %dma_wait3A_53 : memref<1x8192xf32, #tpu.memory_space<hbm>> -> memref<8192xf32, #tpu.memory_space<hbm>>
      %dma_wait3A_55 = arith.constant 0 : i32
      %dma_wait3A_56 = tpu.memref_slice %arg8[%add3A, %dma_wait3A_55] : memref<32x16384xf32, #tpu.memory_space<hbm>> -> memref<1x8192xf32, #tpu.memory_space<hbm>>
      %dma_wait3A_57 = tpu.memref_squeeze %dma_wait3A_56 : memref<1x8192xf32, #tpu.memory_space<hbm>> -> memref<8192xf32, #tpu.memory_space<hbm>>
      tpu.wait_dma2 semaphore(%run_scoped3A : memref<!tpu.dma_semaphore, #tpu.memory_space<semaphore_mem>>) src(%arg14 : memref<8192xf32, #tpu.memory_space<vmem>>) dst(%dma_wait3A_57 : memref<8192xf32, #tpu.memory_space<hbm>>)
      tpu.yield
    }) : () -> ()
    "tpu.region"() ({
      %run_scoped3A = tpu.sem_alloc : memref<!tpu.dma_semaphore, #tpu.memory_space<semaphore_mem>>
      %dma_start3A = arith.constant 8192 : i32
      %dma_start3A_48 = tpu.memref_slice %arg2[%dma_start3A] : memref<16384xi32, #tpu.memory_space<hbm>> -> memref<8192xi32, #tpu.memory_space<hbm>>
      %dma_start3A_49 = arith.constant 8192 : i32
      %dma_start3A_50 = tpu.memref_slice %arg2[%dma_start3A_49] : memref<16384xi32, #tpu.memory_space<hbm>> -> memref<8192xi32, #tpu.memory_space<hbm>>
      tpu.enqueue_dma source(%dma_start3A_50 : memref<8192xi32, #tpu.memory_space<hbm>>) target(%arg13 : memref<8192xi32, #tpu.memory_space<vmem>>) target_semaphore(%run_scoped3A : memref<!tpu.dma_semaphore, #tpu.memory_space<semaphore_mem>>)
      %dma_wait3A = arith.constant 8192 : i32
      %dma_wait3A_51 = tpu.memref_slice %arg2[%dma_wait3A] : memref<16384xi32, #tpu.memory_space<hbm>> -> memref<8192xi32, #tpu.memory_space<hbm>>
      %dma_wait3A_52 = arith.constant 8192 : i32
      %dma_wait3A_53 = tpu.memref_slice %arg2[%dma_wait3A_52] : memref<16384xi32, #tpu.memory_space<hbm>> -> memref<8192xi32, #tpu.memory_space<hbm>>
      tpu.wait_dma2 semaphore(%run_scoped3A : memref<!tpu.dma_semaphore, #tpu.memory_space<semaphore_mem>>) src(%dma_wait3A_53 : memref<8192xi32, #tpu.memory_space<hbm>>) dst(%arg13 : memref<8192xi32, #tpu.memory_space<vmem>>)
      tpu.yield
    }) : () -> ()
    %scan3A_6 = arith.constant 0 : i32
    %scan3A_7 = arith.constant 0 : i32
    %scan3A_8 = arith.constant 512 : i32
    %scan3A_9 = arith.addi %scan3A_7, %scan3A_8 : i32
    %scan3A_10 = arith.constant 4 : i32
    scf.for %scan3A_48 = %scan3A_7 to %scan3A_9 step %scan3A_10  : i32 {
      %mul3A_49 = arith.constant 16 : i32
      %mul3A_50 = arith.muli %scan3A_48, %mul3A_49 : i32
      %get3A = arith.index_cast %mul3A_50 : i32 to index
      %get3A_51 = tpu.vector_load %arg13[%get3A] {strides = array<i32>} : memref<8192xi32, #tpu.memory_space<vmem>>, vector<16xi32>,
      %gather3A = tpu.vector_load_idx %arg12[%get3A_51] : memref<100000xf32, #tpu.memory_space<vmem>>[vector<16xi32>], vector<16xf32>,
      %mul3A_52 = arith.constant 16 : i32
      %mul3A_53 = arith.muli %scan3A_48, %mul3A_52 : i32
      %swap3A = arith.index_cast %mul3A_53 : i32 to index
      %swap3A_54 = tpu.vector_load %arg14[%swap3A] {strides = array<i32>} : memref<8192xf32, #tpu.memory_space<vmem>>, vector<16xf32>,
      tpu.vector_store %arg14[%swap3A], %gather3A {strides = array<i32>} : memref<8192xf32, #tpu.memory_space<vmem>>, vector<16xf32>,
      %scan3A_55 = arith.constant 1 : i32
      %scan3A_56 = arith.addi %scan3A_48, %scan3A_55 : i32
      %mul3A_57 = arith.constant 16 : i32
      %mul3A_58 = arith.muli %scan3A_56, %mul3A_57 : i32
      %get3A_59 = arith.index_cast %mul3A_58 : i32 to index
      %get3A_60 = tpu.vector_load %arg13[%get3A_59] {strides = array<i32>} : memref<8192xi32, #tpu.memory_space<vmem>>, vector<16xi32>,
      %gather3A_61 = tpu.vector_load_idx %arg12[%get3A_60] : memref<100000xf32, #tpu.memory_space<vmem>>[vector<16xi32>], vector<16xf32>,
      %mul3A_62 = arith.constant 16 : i32
      %mul3A_63 = arith.muli %scan3A_56, %mul3A_62 : i32
      %swap3A_64 = arith.index_cast %mul3A_63 : i32 to index
      %swap3A_65 = tpu.vector_load %arg14[%swap3A_64] {strides = array<i32>} : memref<8192xf32, #tpu.memory_space<vmem>>, vector<16xf32>,
      tpu.vector_store %arg14[%swap3A_64], %gather3A_61 {strides = array<i32>} : memref<8192xf32, #tpu.memory_space<vmem>>, vector<16xf32>,
      %scan3A_66 = arith.constant 2 : i32
      %scan3A_67 = arith.addi %scan3A_48, %scan3A_66 : i32
      %mul3A_68 = arith.constant 16 : i32
      %mul3A_69 = arith.muli %scan3A_67, %mul3A_68 : i32
      %get3A_70 = arith.index_cast %mul3A_69 : i32 to index
      %get3A_71 = tpu.vector_load %arg13[%get3A_70] {strides = array<i32>} : memref<8192xi32, #tpu.memory_space<vmem>>, vector<16xi32>,
      %gather3A_72 = tpu.vector_load_idx %arg12[%get3A_71] : memref<100000xf32, #tpu.memory_space<vmem>>[vector<16xi32>], vector<16xf32>,
      %mul3A_73 = arith.constant 16 : i32
      %mul3A_74 = arith.muli %scan3A_67, %mul3A_73 : i32
      %swap3A_75 = arith.index_cast %mul3A_74 : i32 to index
      %swap3A_76 = tpu.vector_load %arg14[%swap3A_75] {strides = array<i32>} : memref<8192xf32, #tpu.memory_space<vmem>>, vector<16xf32>,
      tpu.vector_store %arg14[%swap3A_75], %gather3A_72 {strides = array<i32>} : memref<8192xf32, #tpu.memory_space<vmem>>, vector<16xf32>,
      %scan3A_77 = arith.constant 3 : i32
      %scan3A_78 = arith.addi %scan3A_48, %scan3A_77 : i32
      %mul3A_79 = arith.constant 16 : i32
      %mul3A_80 = arith.muli %scan3A_78, %mul3A_79 : i32
      %get3A_81 = arith.index_cast %mul3A_80 : i32 to index
      %get3A_82 = tpu.vector_load %arg13[%get3A_81] {strides = array<i32>} : memref<8192xi32, #tpu.memory_space<vmem>>, vector<16xi32>,
      %gather3A_83 = tpu.vector_load_idx %arg12[%get3A_82] : memref<100000xf32, #tpu.memory_space<vmem>>[vector<16xi32>], vector<16xf32>,
      %mul3A_84 = arith.constant 16 : i32
      %mul3A_85 = arith.muli %scan3A_78, %mul3A_84 : i32
      %swap3A_86 = arith.index_cast %mul3A_85 : i32 to index
      %swap3A_87 = tpu.vector_load %arg14[%swap3A_86] {strides = array<i32>} : memref<8192xf32, #tpu.memory_space<vmem>>, vector<16xf32>,
      tpu.vector_store %arg14[%swap3A_86], %gather3A_83 {strides = array<i32>} : memref<8192xf32, #tpu.memory_space<vmem>>, vector<16xf32>,
    }
    %scan3A_11 = arith.constant 512 : i32
    "tpu.region"() ({
      %run_scoped3A = tpu.sem_alloc : memref<!tpu.dma_semaphore, #tpu.memory_space<semaphore_mem>>
      %dma_start3A = arith.constant 8192 : i32
      %dma_start3A_48 = tpu.memref_slice %arg8[%add3A, %dma_start3A] : memref<32x16384xf32, #tpu.memory_space<hbm>> -> memref<1x8192xf32, #tpu.memory_space<hbm>>
      %dma_start3A_49 = tpu.memref_squeeze %dma_start3A_48 : memref<1x8192xf32, #tpu.memory_space<hbm>> -> memref<8192xf32, #tpu.memory_space<hbm>>
      %dma_start3A_50 = arith.constant 8192 : i32
      %dma_start3A_51 = tpu.memref_slice %arg8[%add3A, %dma_start3A_50] : memref<32x16384xf32, #tpu.memory_space<hbm>> -> memref<1x8192xf32, #tpu.memory_space<hbm>>
      %dma_start3A_52 = tpu.memref_squeeze %dma_start3A_51 : memref<1x8192xf32, #tpu.memory_space<hbm>> -> memref<8192xf32, #tpu.memory_space<hbm>>
      tpu.enqueue_dma source(%arg14 : memref<8192xf32, #tpu.memory_space<vmem>>) target(%dma_start3A_52 : memref<8192xf32, #tpu.memory_space<hbm>>) target_semaphore(%run_scoped3A : memref<!tpu.dma_semaphore, #tpu.memory_space<semaphore_mem>>)
      %dma_wait3A = arith.constant 8192 : i32
      %dma_wait3A_53 = tpu.memref_slice %arg8[%add3A, %dma_wait3A] : memref<32x16384xf32, #tpu.memory_space<hbm>> -> memref<1x8192xf32, #tpu.memory_space<hbm>>
      %dma_wait3A_54 = tpu.memref_squeeze %dma_wait3A_53 : memref<1x8192xf32, #tpu.memory_space<hbm>> -> memref<8192xf32, #tpu.memory_space<hbm>>
      %dma_wait3A_55 = arith.constant 8192 : i32
      %dma_wait3A_56 = tpu.memref_slice %arg8[%add3A, %dma_wait3A_55] : memref<32x16384xf32, #tpu.memory_space<hbm>> -> memref<1x8192xf32, #tpu.memory_space<hbm>>
      %dma_wait3A_57 = tpu.memref_squeeze %dma_wait3A_56 : memref<1x8192xf32, #tpu.memory_space<hbm>> -> memref<8192xf32, #tpu.memory_space<hbm>>
      tpu.wait_dma2 semaphore(%run_scoped3A : memref<!tpu.dma_semaphore, #tpu.memory_space<semaphore_mem>>) src(%arg14 : memref<8192xf32, #tpu.memory_space<vmem>>) dst(%dma_wait3A_57 : memref<8192xf32, #tpu.memory_space<hbm>>)
      tpu.yield
    }) : () -> ()
    "tpu.region"() ({
      %run_scoped3A = tpu.sem_alloc : memref<!tpu.dma_semaphore, #tpu.memory_space<semaphore_mem>>
      %dma_start3A = arith.constant 0 : i32
      %dma_start3A_48 = tpu.memref_slice %arg6[%add3A, %dma_start3A] : memref<32x100000xf32, #tpu.memory_space<hbm>> -> memref<1x100000xf32, #tpu.memory_space<hbm>>
      %dma_start3A_49 = tpu.memref_squeeze %dma_start3A_48 : memref<1x100000xf32, #tpu.memory_space<hbm>> -> memref<100000xf32, #tpu.memory_space<hbm>>
      %dma_start3A_50 = arith.constant 0 : i32
      %dma_start3A_51 = tpu.memref_slice %arg6[%add3A, %dma_start3A_50] : memref<32x100000xf32, #tpu.memory_space<hbm>> -> memref<1x100000xf32, #tpu.memory_space<hbm>>
      %dma_start3A_52 = tpu.memref_squeeze %dma_start3A_51 : memref<1x100000xf32, #tpu.memory_space<hbm>> -> memref<100000xf32, #tpu.memory_space<hbm>>
      tpu.enqueue_dma source(%dma_start3A_52 : memref<100000xf32, #tpu.memory_space<hbm>>) target(%arg12 : memref<100000xf32, #tpu.memory_space<vmem>>) target_semaphore(%run_scoped3A : memref<!tpu.dma_semaphore, #tpu.memory_space<semaphore_mem>>)
      %dma_wait3A = arith.constant 0 : i32
      %dma_wait3A_53 = tpu.memref_slice %arg6[%add3A, %dma_wait3A] : memref<32x100000xf32, #tpu.memory_space<hbm>> -> memref<1x100000xf32, #tpu.memory_space<hbm>>
      %dma_wait3A_54 = tpu.memref_squeeze %dma_wait3A_53 : memref<1x100000xf32, #tpu.memory_space<hbm>> -> memref<100000xf32, #tpu.memory_space<hbm>>
      %dma_wait3A_55 = arith.constant 0 : i32
      %dma_wait3A_56 = tpu.memref_slice %arg6[%add3A, %dma_wait3A_55] : memref<32x100000xf32, #tpu.memory_space<hbm>> -> memref<1x100000xf32, #tpu.memory_space<hbm>>
      %dma_wait3A_57 = tpu.memref_squeeze %dma_wait3A_56 : memref<1x100000xf32, #tpu.memory_space<hbm>> -> memref<100000xf32, #tpu.memory_space<hbm>>
      tpu.wait_dma2 semaphore(%run_scoped3A : memref<!tpu.dma_semaphore, #tpu.memory_space<semaphore_mem>>) src(%dma_wait3A_57 : memref<100000xf32, #tpu.memory_space<hbm>>) dst(%arg12 : memref<100000xf32, #tpu.memory_space<vmem>>)
      tpu.yield
    }) : () -> ()
    "tpu.region"() ({
      %run_scoped3A = tpu.sem_alloc : memref<!tpu.dma_semaphore, #tpu.memory_space<semaphore_mem>>
      %dma_start3A = arith.constant 0 : i32
      %dma_start3A_48 = tpu.memref_slice %arg2[%dma_start3A] : memref<16384xi32, #tpu.memory_space<hbm>> -> memref<8192xi32, #tpu.memory_space<hbm>>
      %dma_start3A_49 = arith.constant 0 : i32
      %dma_start3A_50 = tpu.memref_slice %arg2[%dma_start3A_49] : memref<16384xi32, #tpu.memory_space<hbm>> -> memref<8192xi32, #tpu.memory_space<hbm>>
      tpu.enqueue_dma source(%dma_start3A_50 : memref<8192xi32, #tpu.memory_space<hbm>>) target(%arg13 : memref<8192xi32, #tpu.memory_space<vmem>>) target_semaphore(%run_scoped3A : memref<!tpu.dma_semaphore, #tpu.memory_space<semaphore_mem>>)
      %dma_wait3A = arith.constant 0 : i32
      %dma_wait3A_51 = tpu.memref_slice %arg2[%dma_wait3A] : memref<16384xi32, #tpu.memory_space<hbm>> -> memref<8192xi32, #tpu.memory_space<hbm>>
      %dma_wait3A_52 = arith.constant 0 : i32
      %dma_wait3A_53 = tpu.memref_slice %arg2[%dma_wait3A_52] : memref<16384xi32, #tpu.memory_space<hbm>> -> memref<8192xi32, #tpu.memory_space<hbm>>
      tpu.wait_dma2 semaphore(%run_scoped3A : memref<!tpu.dma_semaphore, #tpu.memory_space<semaphore_mem>>) src(%dma_wait3A_53 : memref<8192xi32, #tpu.memory_space<hbm>>) dst(%arg13 : memref<8192xi32, #tpu.memory_space<vmem>>)
      tpu.yield
    }) : () -> ()
    %scan3A_12 = arith.constant 0 : i32
    %scan3A_13 = arith.constant 0 : i32
    %scan3A_14 = arith.constant 512 : i32
    %scan3A_15 = arith.addi %scan3A_13, %scan3A_14 : i32
    %scan3A_16 = arith.constant 4 : i32
    scf.for %scan3A_48 = %scan3A_13 to %scan3A_15 step %scan3A_16  : i32 {
      %mul3A_49 = arith.constant 16 : i32
      %mul3A_50 = arith.muli %scan3A_48, %mul3A_49 : i32
      %get3A = arith.index_cast %mul3A_50 : i32 to index
      %get3A_51 = tpu.vector_load %arg13[%get3A] {strides = array<i32>} : memref<8192xi32, #tpu.memory_space<vmem>>, vector<16xi32>,
      %gather3A = tpu.vector_load_idx %arg12[%get3A_51] : memref<100000xf32, #tpu.memory_space<vmem>>[vector<16xi32>], vector<16xf32>,
      %mul3A_52 = arith.constant 16 : i32
      %mul3A_53 = arith.muli %scan3A_48, %mul3A_52 : i32
      %swap3A = arith.index_cast %mul3A_53 : i32 to index
      %swap3A_54 = tpu.vector_load %arg14[%swap3A] {strides = array<i32>} : memref<8192xf32, #tpu.memory_space<vmem>>, vector<16xf32>,
      tpu.vector_store %arg14[%swap3A], %gather3A {strides = array<i32>} : memref<8192xf32, #tpu.memory_space<vmem>>, vector<16xf32>,
      %scan3A_55 = arith.constant 1 : i32
      %scan3A_56 = arith.addi %scan3A_48, %scan3A_55 : i32
      %mul3A_57 = arith.constant 16 : i32
      %mul3A_58 = arith.muli %scan3A_56, %mul3A_57 : i32
      %get3A_59 = arith.index_cast %mul3A_58 : i32 to index
      %get3A_60 = tpu.vector_load %arg13[%get3A_59] {strides = array<i32>} : memref<8192xi32, #tpu.memory_space<vmem>>, vector<16xi32>,
      %gather3A_61 = tpu.vector_load_idx %arg12[%get3A_60] : memref<100000xf32, #tpu.memory_space<vmem>>[vector<16xi32>], vector<16xf32>,
      %mul3A_62 = arith.constant 16 : i32
      %mul3A_63 = arith.muli %scan3A_56, %mul3A_62 : i32
      %swap3A_64 = arith.index_cast %mul3A_63 : i32 to index
      %swap3A_65 = tpu.vector_load %arg14[%swap3A_64] {strides = array<i32>} : memref<8192xf32, #tpu.memory_space<vmem>>, vector<16xf32>,
      tpu.vector_store %arg14[%swap3A_64], %gather3A_61 {strides = array<i32>} : memref<8192xf32, #tpu.memory_space<vmem>>, vector<16xf32>,
      %scan3A_66 = arith.constant 2 : i32
      %scan3A_67 = arith.addi %scan3A_48, %scan3A_66 : i32
      %mul3A_68 = arith.constant 16 : i32
      %mul3A_69 = arith.muli %scan3A_67, %mul3A_68 : i32
      %get3A_70 = arith.index_cast %mul3A_69 : i32 to index
      %get3A_71 = tpu.vector_load %arg13[%get3A_70] {strides = array<i32>} : memref<8192xi32, #tpu.memory_space<vmem>>, vector<16xi32>,
      %gather3A_72 = tpu.vector_load_idx %arg12[%get3A_71] : memref<100000xf32, #tpu.memory_space<vmem>>[vector<16xi32>], vector<16xf32>,
      %mul3A_73 = arith.constant 16 : i32
      %mul3A_74 = arith.muli %scan3A_67, %mul3A_73 : i32
      %swap3A_75 = arith.index_cast %mul3A_74 : i32 to index
      %swap3A_76 = tpu.vector_load %arg14[%swap3A_75] {strides = array<i32>} : memref<8192xf32, #tpu.memory_space<vmem>>, vector<16xf32>,
      tpu.vector_store %arg14[%swap3A_75], %gather3A_72 {strides = array<i32>} : memref<8192xf32, #tpu.memory_space<vmem>>, vector<16xf32>,
      %scan3A_77 = arith.constant 3 : i32
      %scan3A_78 = arith.addi %scan3A_48, %scan3A_77 : i32
      %mul3A_79 = arith.constant 16 : i32
      %mul3A_80 = arith.muli %scan3A_78, %mul3A_79 : i32
      %get3A_81 = arith.index_cast %mul3A_80 : i32 to index
      %get3A_82 = tpu.vector_load %arg13[%get3A_81] {strides = array<i32>} : memref<8192xi32, #tpu.memory_space<vmem>>, vector<16xi32>,
      %gather3A_83 = tpu.vector_load_idx %arg12[%get3A_82] : memref<100000xf32, #tpu.memory_space<vmem>>[vector<16xi32>], vector<16xf32>,
      %mul3A_84 = arith.constant 16 : i32
      %mul3A_85 = arith.muli %scan3A_78, %mul3A_84 : i32
      %swap3A_86 = arith.index_cast %mul3A_85 : i32 to index
      %swap3A_87 = tpu.vector_load %arg14[%swap3A_86] {strides = array<i32>} : memref<8192xf32, #tpu.memory_space<vmem>>, vector<16xf32>,
      tpu.vector_store %arg14[%swap3A_86], %gather3A_83 {strides = array<i32>} : memref<8192xf32, #tpu.memory_space<vmem>>, vector<16xf32>,
    }
    %scan3A_17 = arith.constant 512 : i32
    "tpu.region"() ({
      %run_scoped3A = tpu.sem_alloc : memref<!tpu.dma_semaphore, #tpu.memory_space<semaphore_mem>>
      %dma_start3A = arith.constant 0 : i32
      %dma_start3A_48 = tpu.memref_slice %arg10[%add3A, %dma_start3A] : memref<32x16384xf32, #tpu.memory_space<hbm>> -> memref<1x8192xf32, #tpu.memory_space<hbm>>
      %dma_start3A_49 = tpu.memref_squeeze %dma_start3A_48 : memref<1x8192xf32, #tpu.memory_space<hbm>> -> memref<8192xf32, #tpu.memory_space<hbm>>
      %dma_start3A_50 = arith.constant 0 : i32
      %dma_start3A_51 = tpu.memref_slice %arg10[%add3A, %dma_start3A_50] : memref<32x16384xf32, #tpu.memory_space<hbm>> -> memref<1x8192xf32, #tpu.memory_space<hbm>>
      %dma_start3A_52 = tpu.memref_squeeze %dma_start3A_51 : memref<1x8192xf32, #tpu.memory_space<hbm>> -> memref<8192xf32, #tpu.memory_space<hbm>>
      tpu.enqueue_dma source(%arg14 : memref<8192xf32, #tpu.memory_space<vmem>>) target(%dma_start3A_52 : memref<8192xf32, #tpu.memory_space<hbm>>) target_semaphore(%run_scoped3A : memref<!tpu.dma_semaphore, #tpu.memory_space<semaphore_mem>>)
      %dma_wait3A = arith.constant 0 : i32
      %dma_wait3A_53 = tpu.memref_slice %arg10[%add3A, %dma_wait3A] : memref<32x16384xf32, #tpu.memory_space<hbm>> -> memref<1x8192xf32, #tpu.memory_space<hbm>>
      %dma_wait3A_54 = tpu.memref_squeeze %dma_wait3A_53 : memref<1x8192xf32, #tpu.memory_space<hbm>> -> memref<8192xf32, #tpu.memory_space<hbm>>
      %dma_wait3A_55 = arith.constant 0 : i32
      %dma_wait3A_56 = tpu.memref_slice %arg10[%add3A, %dma_wait3A_55] : memref<32x16384xf32, #tpu.memory_space<hbm>> -> memref<1x8192xf32, #tpu.memory_space<hbm>>
      %dma_wait3A_57 = tpu.memref_squeeze %dma_wait3A_56 : memref<1x8192xf32, #tpu.memory_space<hbm>> -> memref<8192xf32, #tpu.memory_space<hbm>>
      tpu.wait_dma2 semaphore(%run_scoped3A : memref<!tpu.dma_semaphore, #tpu.memory_space<semaphore_mem>>) src(%arg14 : memref<8192xf32, #tpu.memory_space<vmem>>) dst(%dma_wait3A_57 : memref<8192xf32, #tpu.memory_space<hbm>>)
      tpu.yield
    }) : () -> ()
    "tpu.region"() ({
      %run_scoped3A = tpu.sem_alloc : memref<!tpu.dma_semaphore, #tpu.memory_space<semaphore_mem>>
      %dma_start3A = arith.constant 8192 : i32
      %dma_start3A_48 = tpu.memref_slice %arg2[%dma_start3A] : memref<16384xi32, #tpu.memory_space<hbm>> -> memref<8192xi32, #tpu.memory_space<hbm>>
      %dma_start3A_49 = arith.constant 8192 : i32
      %dma_start3A_50 = tpu.memref_slice %arg2[%dma_start3A_49] : memref<16384xi32, #tpu.memory_space<hbm>> -> memref<8192xi32, #tpu.memory_space<hbm>>
      tpu.enqueue_dma source(%dma_start3A_50 : memref<8192xi32, #tpu.memory_space<hbm>>) target(%arg13 : memref<8192xi32, #tpu.memory_space<vmem>>) target_semaphore(%run_scoped3A : memref<!tpu.dma_semaphore, #tpu.memory_space<semaphore_mem>>)
      %dma_wait3A = arith.constant 8192 : i32
      %dma_wait3A_51 = tpu.memref_slice %arg2[%dma_wait3A] : memref<16384xi32, #tpu.memory_space<hbm>> -> memref<8192xi32, #tpu.memory_space<hbm>>
      %dma_wait3A_52 = arith.constant 8192 : i32
      %dma_wait3A_53 = tpu.memref_slice %arg2[%dma_wait3A_52] : memref<16384xi32, #tpu.memory_space<hbm>> -> memref<8192xi32, #tpu.memory_space<hbm>>
      tpu.wait_dma2 semaphore(%run_scoped3A : memref<!tpu.dma_semaphore, #tpu.memory_space<semaphore_mem>>) src(%dma_wait3A_53 : memref<8192xi32, #tpu.memory_space<hbm>>) dst(%arg13 : memref<8192xi32, #tpu.memory_space<vmem>>)
      tpu.yield
    }) : () -> ()
    %scan3A_18 = arith.constant 0 : i32
    %scan3A_19 = arith.constant 0 : i32
    %scan3A_20 = arith.constant 512 : i32
    %scan3A_21 = arith.addi %scan3A_19, %scan3A_20 : i32
    %scan3A_22 = arith.constant 4 : i32
    scf.for %scan3A_48 = %scan3A_19 to %scan3A_21 step %scan3A_22  : i32 {
      %mul3A_49 = arith.constant 16 : i32
      %mul3A_50 = arith.muli %scan3A_48, %mul3A_49 : i32
      %get3A = arith.index_cast %mul3A_50 : i32 to index
      %get3A_51 = tpu.vector_load %arg13[%get3A] {strides = array<i32>} : memref<8192xi32, #tpu.memory_space<vmem>>, vector<16xi32>,
      %gather3A = tpu.vector_load_idx %arg12[%get3A_51] : memref<100000xf32, #tpu.memory_space<vmem>>[vector<16xi32>], vector<16xf32>,
      %mul3A_52 = arith.constant 16 : i32
      %mul3A_53 = arith.muli %scan3A_48, %mul3A_52 : i32
      %swap3A = arith.index_cast %mul3A_53 : i32 to index
      %swap3A_54 = tpu.vector_load %arg14[%swap3A] {strides = array<i32>} : memref<8192xf32, #tpu.memory_space<vmem>>, vector<16xf32>,
      tpu.vector_store %arg14[%swap3A], %gather3A {strides = array<i32>} : memref<8192xf32, #tpu.memory_space<vmem>>, vector<16xf32>,
      %scan3A_55 = arith.constant 1 : i32
      %scan3A_56 = arith.addi %scan3A_48, %scan3A_55 : i32
      %mul3A_57 = arith.constant 16 : i32
      %mul3A_58 = arith.muli %scan3A_56, %mul3A_57 : i32
      %get3A_59 = arith.index_cast %mul3A_58 : i32 to index
      %get3A_60 = tpu.vector_load %arg13[%get3A_59] {strides = array<i32>} : memref<8192xi32, #tpu.memory_space<vmem>>, vector<16xi32>,
      %gather3A_61 = tpu.vector_load_idx %arg12[%get3A_60] : memref<100000xf32, #tpu.memory_space<vmem>>[vector<16xi32>], vector<16xf32>,
      %mul3A_62 = arith.constant 16 : i32
      %mul3A_63 = arith.muli %scan3A_56, %mul3A_62 : i32
      %swap3A_64 = arith.index_cast %mul3A_63 : i32 to index
      %swap3A_65 = tpu.vector_load %arg14[%swap3A_64] {strides = array<i32>} : memref<8192xf32, #tpu.memory_space<vmem>>, vector<16xf32>,
      tpu.vector_store %arg14[%swap3A_64], %gather3A_61 {strides = array<i32>} : memref<8192xf32, #tpu.memory_space<vmem>>, vector<16xf32>,
      %scan3A_66 = arith.constant 2 : i32
      %scan3A_67 = arith.addi %scan3A_48, %scan3A_66 : i32
      %mul3A_68 = arith.constant 16 : i32
      %mul3A_69 = arith.muli %scan3A_67, %mul3A_68 : i32
      %get3A_70 = arith.index_cast %mul3A_69 : i32 to index
      %get3A_71 = tpu.vector_load %arg13[%get3A_70] {strides = array<i32>} : memref<8192xi32, #tpu.memory_space<vmem>>, vector<16xi32>,
      %gather3A_72 = tpu.vector_load_idx %arg12[%get3A_71] : memref<100000xf32, #tpu.memory_space<vmem>>[vector<16xi32>], vector<16xf32>,
      %mul3A_73 = arith.constant 16 : i32
      %mul3A_74 = arith.muli %scan3A_67, %mul3A_73 : i32
      %swap3A_75 = arith.index_cast %mul3A_74 : i32 to index
      %swap3A_76 = tpu.vector_load %arg14[%swap3A_75] {strides = array<i32>} : memref<8192xf32, #tpu.memory_space<vmem>>, vector<16xf32>,
      tpu.vector_store %arg14[%swap3A_75], %gather3A_72 {strides = array<i32>} : memref<8192xf32, #tpu.memory_space<vmem>>, vector<16xf32>,
      %scan3A_77 = arith.constant 3 : i32
      %scan3A_78 = arith.addi %scan3A_48, %scan3A_77 : i32
      %mul3A_79 = arith.constant 16 : i32
      %mul3A_80 = arith.muli %scan3A_78, %mul3A_79 : i32
      %get3A_81 = arith.index_cast %mul3A_80 : i32 to index
      %get3A_82 = tpu.vector_load %arg13[%get3A_81] {strides = array<i32>} : memref<8192xi32, #tpu.memory_space<vmem>>, vector<16xi32>,
      %gather3A_83 = tpu.vector_load_idx %arg12[%get3A_82] : memref<100000xf32, #tpu.memory_space<vmem>>[vector<16xi32>], vector<16xf32>,
      %mul3A_84 = arith.constant 16 : i32
      %mul3A_85 = arith.muli %scan3A_78, %mul3A_84 : i32
      %swap3A_86 = arith.index_cast %mul3A_85 : i32 to index
      %swap3A_87 = tpu.vector_load %arg14[%swap3A_86] {strides = array<i32>} : memref<8192xf32, #tpu.memory_space<vmem>>, vector<16xf32>,
      tpu.vector_store %arg14[%swap3A_86], %gather3A_83 {strides = array<i32>} : memref<8192xf32, #tpu.memory_space<vmem>>, vector<16xf32>,
    }
    %scan3A_23 = arith.constant 512 : i32
    "tpu.region"() ({
      %run_scoped3A = tpu.sem_alloc : memref<!tpu.dma_semaphore, #tpu.memory_space<semaphore_mem>>
      %dma_start3A = arith.constant 8192 : i32
      %dma_start3A_48 = tpu.memref_slice %arg10[%add3A, %dma_start3A] : memref<32x16384xf32, #tpu.memory_space<hbm>> -> memref<1x8192xf32, #tpu.memory_space<hbm>>
      %dma_start3A_49 = tpu.memref_squeeze %dma_start3A_48 : memref<1x8192xf32, #tpu.memory_space<hbm>> -> memref<8192xf32, #tpu.memory_space<hbm>>
      %dma_start3A_50 = arith.constant 8192 : i32
      %dma_start3A_51 = tpu.memref_slice %arg10[%add3A, %dma_start3A_50] : memref<32x16384xf32, #tpu.memory_space<hbm>> -> memref<1x8192xf32, #tpu.memory_space<hbm>>
      %dma_start3A_52 = tpu.memref_squeeze %dma_start3A_51 : memref<1x8192xf32, #tpu.memory_space<hbm>> -> memref<8192xf32, #tpu.memory_space<hbm>>
      tpu.enqueue_dma source(%arg14 : memref<8192xf32, #tpu.memory_space<vmem>>) target(%dma_start3A_52 : memref<8192xf32, #tpu.memory_space<hbm>>) target_semaphore(%run_scoped3A : memref<!tpu.dma_semaphore, #tpu.memory_space<semaphore_mem>>)
      %dma_wait3A = arith.constant 8192 : i32
      %dma_wait3A_53 = tpu.memref_slice %arg10[%add3A, %dma_wait3A] : memref<32x16384xf32, #tpu.memory_space<hbm>> -> memref<1x8192xf32, #tpu.memory_space<hbm>>
      %dma_wait3A_54 = tpu.memref_squeeze %dma_wait3A_53 : memref<1x8192xf32, #tpu.memory_space<hbm>> -> memref<8192xf32, #tpu.memory_space<hbm>>
      %dma_wait3A_55 = arith.constant 8192 : i32
      %dma_wait3A_56 = tpu.memref_slice %arg10[%add3A, %dma_wait3A_55] : memref<32x16384xf32, #tpu.memory_space<hbm>> -> memref<1x8192xf32, #tpu.memory_space<hbm>>
      %dma_wait3A_57 = tpu.memref_squeeze %dma_wait3A_56 : memref<1x8192xf32, #tpu.memory_space<hbm>> -> memref<8192xf32, #tpu.memory_space<hbm>>
      tpu.wait_dma2 semaphore(%run_scoped3A : memref<!tpu.dma_semaphore, #tpu.memory_space<semaphore_mem>>) src(%arg14 : memref<8192xf32, #tpu.memory_space<vmem>>) dst(%dma_wait3A_57 : memref<8192xf32, #tpu.memory_space<hbm>>)
      tpu.yield
    }) : () -> ()
    "tpu.region"() ({
      %run_scoped3A = tpu.sem_alloc : memref<!tpu.dma_semaphore, #tpu.memory_space<semaphore_mem>>
      %dma_start3A = arith.constant 0 : i32
      %dma_start3A_48 = tpu.memref_slice %arg5[%add3A, %dma_start3A] : memref<32x100000xf32, #tpu.memory_space<hbm>> -> memref<1x100000xf32, #tpu.memory_space<hbm>>
      %dma_start3A_49 = tpu.memref_squeeze %dma_start3A_48 : memref<1x100000xf32, #tpu.memory_space<hbm>> -> memref<100000xf32, #tpu.memory_space<hbm>>
      %dma_start3A_50 = arith.constant 0 : i32
      %dma_start3A_51 = tpu.memref_slice %arg5[%add3A, %dma_start3A_50] : memref<32x100000xf32, #tpu.memory_space<hbm>> -> memref<1x100000xf32, #tpu.memory_space<hbm>>
      %dma_start3A_52 = tpu.memref_squeeze %dma_start3A_51 : memref<1x100000xf32, #tpu.memory_space<hbm>> -> memref<100000xf32, #tpu.memory_space<hbm>>
      tpu.enqueue_dma source(%dma_start3A_52 : memref<100000xf32, #tpu.memory_space<hbm>>) target(%arg12 : memref<100000xf32, #tpu.memory_space<vmem>>) target_semaphore(%run_scoped3A : memref<!tpu.dma_semaphore, #tpu.memory_space<semaphore_mem>>)
      %dma_wait3A = arith.constant 0 : i32
      %dma_wait3A_53 = tpu.memref_slice %arg5[%add3A, %dma_wait3A] : memref<32x100000xf32, #tpu.memory_space<hbm>> -> memref<1x100000xf32, #tpu.memory_space<hbm>>
      %dma_wait3A_54 = tpu.memref_squeeze %dma_wait3A_53 : memref<1x100000xf32, #tpu.memory_space<hbm>> -> memref<100000xf32, #tpu.memory_space<hbm>>
      %dma_wait3A_55 = arith.constant 0 : i32
      %dma_wait3A_56 = tpu.memref_slice %arg5[%add3A, %dma_wait3A_55] : memref<32x100000xf32, #tpu.memory_space<hbm>> -> memref<1x100000xf32, #tpu.memory_space<hbm>>
      %dma_wait3A_57 = tpu.memref_squeeze %dma_wait3A_56 : memref<1x100000xf32, #tpu.memory_space<hbm>> -> memref<100000xf32, #tpu.memory_space<hbm>>
      tpu.wait_dma2 semaphore(%run_scoped3A : memref<!tpu.dma_semaphore, #tpu.memory_space<semaphore_mem>>) src(%dma_wait3A_57 : memref<100000xf32, #tpu.memory_space<hbm>>) dst(%arg12 : memref<100000xf32, #tpu.memory_space<vmem>>)
      tpu.yield
    }) : () -> ()
    "tpu.region"() ({
      %run_scoped3A = tpu.sem_alloc : memref<!tpu.dma_semaphore, #tpu.memory_space<semaphore_mem>>
      %dma_start3A = arith.constant 0 : i32
      %dma_start3A_48 = tpu.memref_slice %arg3[%dma_start3A] : memref<16384xi32, #tpu.memory_space<hbm>> -> memref<8192xi32, #tpu.memory_space<hbm>>
      %dma_start3A_49 = arith.constant 0 : i32
      %dma_start3A_50 = tpu.memref_slice %arg3[%dma_start3A_49] : memref<16384xi32, #tpu.memory_space<hbm>> -> memref<8192xi32, #tpu.memory_space<hbm>>
      tpu.enqueue_dma source(%dma_start3A_50 : memref<8192xi32, #tpu.memory_space<hbm>>) target(%arg13 : memref<8192xi32, #tpu.memory_space<vmem>>) target_semaphore(%run_scoped3A : memref<!tpu.dma_semaphore, #tpu.memory_space<semaphore_mem>>)
      %dma_wait3A = arith.constant 0 : i32
      %dma_wait3A_51 = tpu.memref_slice %arg3[%dma_wait3A] : memref<16384xi32, #tpu.memory_space<hbm>> -> memref<8192xi32, #tpu.memory_space<hbm>>
      %dma_wait3A_52 = arith.constant 0 : i32
      %dma_wait3A_53 = tpu.memref_slice %arg3[%dma_wait3A_52] : memref<16384xi32, #tpu.memory_space<hbm>> -> memref<8192xi32, #tpu.memory_space<hbm>>
      tpu.wait_dma2 semaphore(%run_scoped3A : memref<!tpu.dma_semaphore, #tpu.memory_space<semaphore_mem>>) src(%dma_wait3A_53 : memref<8192xi32, #tpu.memory_space<hbm>>) dst(%arg13 : memref<8192xi32, #tpu.memory_space<vmem>>)
      tpu.yield
    }) : () -> ()
    %scan3A_24 = arith.constant 0 : i32
    %scan3A_25 = arith.constant 0 : i32
    %scan3A_26 = arith.constant 512 : i32
    %scan3A_27 = arith.addi %scan3A_25, %scan3A_26 : i32
    %scan3A_28 = arith.constant 4 : i32
    scf.for %scan3A_48 = %scan3A_25 to %scan3A_27 step %scan3A_28  : i32 {
      %mul3A_49 = arith.constant 16 : i32
      %mul3A_50 = arith.muli %scan3A_48, %mul3A_49 : i32
      %get3A = arith.index_cast %mul3A_50 : i32 to index
      %get3A_51 = tpu.vector_load %arg13[%get3A] {strides = array<i32>} : memref<8192xi32, #tpu.memory_space<vmem>>, vector<16xi32>,
      %gather3A = tpu.vector_load_idx %arg12[%get3A_51] : memref<100000xf32, #tpu.memory_space<vmem>>[vector<16xi32>], vector<16xf32>,
      %mul3A_52 = arith.constant 16 : i32
      %mul3A_53 = arith.muli %scan3A_48, %mul3A_52 : i32
      %swap3A = arith.index_cast %mul3A_53 : i32 to index
      %swap3A_54 = tpu.vector_load %arg14[%swap3A] {strides = array<i32>} : memref<8192xf32, #tpu.memory_space<vmem>>, vector<16xf32>,
      tpu.vector_store %arg14[%swap3A], %gather3A {strides = array<i32>} : memref<8192xf32, #tpu.memory_space<vmem>>, vector<16xf32>,
      %scan3A_55 = arith.constant 1 : i32
      %scan3A_56 = arith.addi %scan3A_48, %scan3A_55 : i32
      %mul3A_57 = arith.constant 16 : i32
      %mul3A_58 = arith.muli %scan3A_56, %mul3A_57 : i32
      %get3A_59 = arith.index_cast %mul3A_58 : i32 to index
      %get3A_60 = tpu.vector_load %arg13[%get3A_59] {strides = array<i32>} : memref<8192xi32, #tpu.memory_space<vmem>>, vector<16xi32>,
      %gather3A_61 = tpu.vector_load_idx %arg12[%get3A_60] : memref<100000xf32, #tpu.memory_space<vmem>>[vector<16xi32>], vector<16xf32>,
      %mul3A_62 = arith.constant 16 : i32
      %mul3A_63 = arith.muli %scan3A_56, %mul3A_62 : i32
      %swap3A_64 = arith.index_cast %mul3A_63 : i32 to index
      %swap3A_65 = tpu.vector_load %arg14[%swap3A_64] {strides = array<i32>} : memref<8192xf32, #tpu.memory_space<vmem>>, vector<16xf32>,
      tpu.vector_store %arg14[%swap3A_64], %gather3A_61 {strides = array<i32>} : memref<8192xf32, #tpu.memory_space<vmem>>, vector<16xf32>,
      %scan3A_66 = arith.constant 2 : i32
      %scan3A_67 = arith.addi %scan3A_48, %scan3A_66 : i32
      %mul3A_68 = arith.constant 16 : i32
      %mul3A_69 = arith.muli %scan3A_67, %mul3A_68 : i32
      %get3A_70 = arith.index_cast %mul3A_69 : i32 to index
      %get3A_71 = tpu.vector_load %arg13[%get3A_70] {strides = array<i32>} : memref<8192xi32, #tpu.memory_space<vmem>>, vector<16xi32>,
      %gather3A_72 = tpu.vector_load_idx %arg12[%get3A_71] : memref<100000xf32, #tpu.memory_space<vmem>>[vector<16xi32>], vector<16xf32>,
      %mul3A_73 = arith.constant 16 : i32
      %mul3A_74 = arith.muli %scan3A_67, %mul3A_73 : i32
      %swap3A_75 = arith.index_cast %mul3A_74 : i32 to index
      %swap3A_76 = tpu.vector_load %arg14[%swap3A_75] {strides = array<i32>} : memref<8192xf32, #tpu.memory_space<vmem>>, vector<16xf32>,
      tpu.vector_store %arg14[%swap3A_75], %gather3A_72 {strides = array<i32>} : memref<8192xf32, #tpu.memory_space<vmem>>, vector<16xf32>,
      %scan3A_77 = arith.constant 3 : i32
      %scan3A_78 = arith.addi %scan3A_48, %scan3A_77 : i32
      %mul3A_79 = arith.constant 16 : i32
      %mul3A_80 = arith.muli %scan3A_78, %mul3A_79 : i32
      %get3A_81 = arith.index_cast %mul3A_80 : i32 to index
      %get3A_82 = tpu.vector_load %arg13[%get3A_81] {strides = array<i32>} : memref<8192xi32, #tpu.memory_space<vmem>>, vector<16xi32>,
      %gather3A_83 = tpu.vector_load_idx %arg12[%get3A_82] : memref<100000xf32, #tpu.memory_space<vmem>>[vector<16xi32>], vector<16xf32>,
      %mul3A_84 = arith.constant 16 : i32
      %mul3A_85 = arith.muli %scan3A_78, %mul3A_84 : i32
      %swap3A_86 = arith.index_cast %mul3A_85 : i32 to index
      %swap3A_87 = tpu.vector_load %arg14[%swap3A_86] {strides = array<i32>} : memref<8192xf32, #tpu.memory_space<vmem>>, vector<16xf32>,
      tpu.vector_store %arg14[%swap3A_86], %gather3A_83 {strides = array<i32>} : memref<8192xf32, #tpu.memory_space<vmem>>, vector<16xf32>,
    }
    %scan3A_29 = arith.constant 512 : i32
    "tpu.region"() ({
      %run_scoped3A = tpu.sem_alloc : memref<!tpu.dma_semaphore, #tpu.memory_space<semaphore_mem>>
      %dma_start3A = arith.constant 0 : i32
      %dma_start3A_48 = tpu.memref_slice %arg9[%add3A, %dma_start3A] : memref<32x16384xf32, #tpu.memory_space<hbm>> -> memref<1x8192xf32, #tpu.memory_space<hbm>>
      %dma_start3A_49 = tpu.memref_squeeze %dma_start3A_48 : memref<1x8192xf32, #tpu.memory_space<hbm>> -> memref<8192xf32, #tpu.memory_space<hbm>>
      %dma_start3A_50 = arith.constant 0 : i32
      %dma_start3A_51 = tpu.memref_slice %arg9[%add3A, %dma_start3A_50] : memref<32x16384xf32, #tpu.memory_space<hbm>> -> memref<1x8192xf32, #tpu.memory_space<hbm>>
      %dma_start3A_52 = tpu.memref_squeeze %dma_start3A_51 : memref<1x8192xf32, #tpu.memory_space<hbm>> -> memref<8192xf32, #tpu.memory_space<hbm>>
      tpu.enqueue_dma source(%arg14 : memref<8192xf32, #tpu.memory_space<vmem>>) target(%dma_start3A_52 : memref<8192xf32, #tpu.memory_space<hbm>>) target_semaphore(%run_scoped3A : memref<!tpu.dma_semaphore, #tpu.memory_space<semaphore_mem>>)
      %dma_wait3A = arith.constant 0 : i32
      %dma_wait3A_53 = tpu.memref_slice %arg9[%add3A, %dma_wait3A] : memref<32x16384xf32, #tpu.memory_space<hbm>> -> memref<1x8192xf32, #tpu.memory_space<hbm>>
      %dma_wait3A_54 = tpu.memref_squeeze %dma_wait3A_53 : memref<1x8192xf32, #tpu.memory_space<hbm>> -> memref<8192xf32, #tpu.memory_space<hbm>>
      %dma_wait3A_55 = arith.constant 0 : i32
      %dma_wait3A_56 = tpu.memref_slice %arg9[%add3A, %dma_wait3A_55] : memref<32x16384xf32, #tpu.memory_space<hbm>> -> memref<1x8192xf32, #tpu.memory_space<hbm>>
      %dma_wait3A_57 = tpu.memref_squeeze %dma_wait3A_56 : memref<1x8192xf32, #tpu.memory_space<hbm>> -> memref<8192xf32, #tpu.memory_space<hbm>>
      tpu.wait_dma2 semaphore(%run_scoped3A : memref<!tpu.dma_semaphore, #tpu.memory_space<semaphore_mem>>) src(%arg14 : memref<8192xf32, #tpu.memory_space<vmem>>) dst(%dma_wait3A_57 : memref<8192xf32, #tpu.memory_space<hbm>>)
      tpu.yield
    }) : () -> ()
    "tpu.region"() ({
      %run_scoped3A = tpu.sem_alloc : memref<!tpu.dma_semaphore, #tpu.memory_space<semaphore_mem>>
      %dma_start3A = arith.constant 8192 : i32
      %dma_start3A_48 = tpu.memref_slice %arg3[%dma_start3A] : memref<16384xi32, #tpu.memory_space<hbm>> -> memref<8192xi32, #tpu.memory_space<hbm>>
      %dma_start3A_49 = arith.constant 8192 : i32
      %dma_start3A_50 = tpu.memref_slice %arg3[%dma_start3A_49] : memref<16384xi32, #tpu.memory_space<hbm>> -> memref<8192xi32, #tpu.memory_space<hbm>>
      tpu.enqueue_dma source(%dma_start3A_50 : memref<8192xi32, #tpu.memory_space<hbm>>) target(%arg13 : memref<8192xi32, #tpu.memory_space<vmem>>) target_semaphore(%run_scoped3A : memref<!tpu.dma_semaphore, #tpu.memory_space<semaphore_mem>>)
      %dma_wait3A = arith.constant 8192 : i32
      %dma_wait3A_51 = tpu.memref_slice %arg3[%dma_wait3A] : memref<16384xi32, #tpu.memory_space<hbm>> -> memref<8192xi32, #tpu.memory_space<hbm>>
      %dma_wait3A_52 = arith.constant 8192 : i32
      %dma_wait3A_53 = tpu.memref_slice %arg3[%dma_wait3A_52] : memref<16384xi32, #tpu.memory_space<hbm>> -> memref<8192xi32, #tpu.memory_space<hbm>>
      tpu.wait_dma2 semaphore(%run_scoped3A : memref<!tpu.dma_semaphore, #tpu.memory_space<semaphore_mem>>) src(%dma_wait3A_53 : memref<8192xi32, #tpu.memory_space<hbm>>) dst(%arg13 : memref<8192xi32, #tpu.memory_space<vmem>>)
      tpu.yield
    }) : () -> ()
    %scan3A_30 = arith.constant 0 : i32
    %scan3A_31 = arith.constant 0 : i32
    %scan3A_32 = arith.constant 512 : i32
    %scan3A_33 = arith.addi %scan3A_31, %scan3A_32 : i32
    %scan3A_34 = arith.constant 4 : i32
    scf.for %scan3A_48 = %scan3A_31 to %scan3A_33 step %scan3A_34  : i32 {
      %mul3A_49 = arith.constant 16 : i32
      %mul3A_50 = arith.muli %scan3A_48, %mul3A_49 : i32
      %get3A = arith.index_cast %mul3A_50 : i32 to index
      %get3A_51 = tpu.vector_load %arg13[%get3A] {strides = array<i32>} : memref<8192xi32, #tpu.memory_space<vmem>>, vector<16xi32>,
      %gather3A = tpu.vector_load_idx %arg12[%get3A_51] : memref<100000xf32, #tpu.memory_space<vmem>>[vector<16xi32>], vector<16xf32>,
      %mul3A_52 = arith.constant 16 : i32
      %mul3A_53 = arith.muli %scan3A_48, %mul3A_52 : i32
      %swap3A = arith.index_cast %mul3A_53 : i32 to index
      %swap3A_54 = tpu.vector_load %arg14[%swap3A] {strides = array<i32>} : memref<8192xf32, #tpu.memory_space<vmem>>, vector<16xf32>,
      tpu.vector_store %arg14[%swap3A], %gather3A {strides = array<i32>} : memref<8192xf32, #tpu.memory_space<vmem>>, vector<16xf32>,
      %scan3A_55 = arith.constant 1 : i32
      %scan3A_56 = arith.addi %scan3A_48, %scan3A_55 : i32
      %mul3A_57 = arith.constant 16 : i32
      %mul3A_58 = arith.muli %scan3A_56, %mul3A_57 : i32
      %get3A_59 = arith.index_cast %mul3A_58 : i32 to index
      %get3A_60 = tpu.vector_load %arg13[%get3A_59] {strides = array<i32>} : memref<8192xi32, #tpu.memory_space<vmem>>, vector<16xi32>,
      %gather3A_61 = tpu.vector_load_idx %arg12[%get3A_60] : memref<100000xf32, #tpu.memory_space<vmem>>[vector<16xi32>], vector<16xf32>,
      %mul3A_62 = arith.constant 16 : i32
      %mul3A_63 = arith.muli %scan3A_56, %mul3A_62 : i32
      %swap3A_64 = arith.index_cast %mul3A_63 : i32 to index
      %swap3A_65 = tpu.vector_load %arg14[%swap3A_64] {strides = array<i32>} : memref<8192xf32, #tpu.memory_space<vmem>>, vector<16xf32>,
      tpu.vector_store %arg14[%swap3A_64], %gather3A_61 {strides = array<i32>} : memref<8192xf32, #tpu.memory_space<vmem>>, vector<16xf32>,
      %scan3A_66 = arith.constant 2 : i32
      %scan3A_67 = arith.addi %scan3A_48, %scan3A_66 : i32
      %mul3A_68 = arith.constant 16 : i32
      %mul3A_69 = arith.muli %scan3A_67, %mul3A_68 : i32
      %get3A_70 = arith.index_cast %mul3A_69 : i32 to index
      %get3A_71 = tpu.vector_load %arg13[%get3A_70] {strides = array<i32>} : memref<8192xi32, #tpu.memory_space<vmem>>, vector<16xi32>,
      %gather3A_72 = tpu.vector_load_idx %arg12[%get3A_71] : memref<100000xf32, #tpu.memory_space<vmem>>[vector<16xi32>], vector<16xf32>,
      %mul3A_73 = arith.constant 16 : i32
      %mul3A_74 = arith.muli %scan3A_67, %mul3A_73 : i32
      %swap3A_75 = arith.index_cast %mul3A_74 : i32 to index
      %swap3A_76 = tpu.vector_load %arg14[%swap3A_75] {strides = array<i32>} : memref<8192xf32, #tpu.memory_space<vmem>>, vector<16xf32>,
      tpu.vector_store %arg14[%swap3A_75], %gather3A_72 {strides = array<i32>} : memref<8192xf32, #tpu.memory_space<vmem>>, vector<16xf32>,
      %scan3A_77 = arith.constant 3 : i32
      %scan3A_78 = arith.addi %scan3A_48, %scan3A_77 : i32
      %mul3A_79 = arith.constant 16 : i32
      %mul3A_80 = arith.muli %scan3A_78, %mul3A_79 : i32
      %get3A_81 = arith.index_cast %mul3A_80 : i32 to index
      %get3A_82 = tpu.vector_load %arg13[%get3A_81] {strides = array<i32>} : memref<8192xi32, #tpu.memory_space<vmem>>, vector<16xi32>,
      %gather3A_83 = tpu.vector_load_idx %arg12[%get3A_82] : memref<100000xf32, #tpu.memory_space<vmem>>[vector<16xi32>], vector<16xf32>,
      %mul3A_84 = arith.constant 16 : i32
      %mul3A_85 = arith.muli %scan3A_78, %mul3A_84 : i32
      %swap3A_86 = arith.index_cast %mul3A_85 : i32 to index
      %swap3A_87 = tpu.vector_load %arg14[%swap3A_86] {strides = array<i32>} : memref<8192xf32, #tpu.memory_space<vmem>>, vector<16xf32>,
      tpu.vector_store %arg14[%swap3A_86], %gather3A_83 {strides = array<i32>} : memref<8192xf32, #tpu.memory_space<vmem>>, vector<16xf32>,
    }
    %scan3A_35 = arith.constant 512 : i32
    "tpu.region"() ({
      %run_scoped3A = tpu.sem_alloc : memref<!tpu.dma_semaphore, #tpu.memory_space<semaphore_mem>>
      %dma_start3A = arith.constant 8192 : i32
      %dma_start3A_48 = tpu.memref_slice %arg9[%add3A, %dma_start3A] : memref<32x16384xf32, #tpu.memory_space<hbm>> -> memref<1x8192xf32, #tpu.memory_space<hbm>>
      %dma_start3A_49 = tpu.memref_squeeze %dma_start3A_48 : memref<1x8192xf32, #tpu.memory_space<hbm>> -> memref<8192xf32, #tpu.memory_space<hbm>>
      %dma_start3A_50 = arith.constant 8192 : i32
      %dma_start3A_51 = tpu.memref_slice %arg9[%add3A, %dma_start3A_50] : memref<32x16384xf32, #tpu.memory_space<hbm>> -> memref<1x8192xf32, #tpu.memory_space<hbm>>
      %dma_start3A_52 = tpu.memref_squeeze %dma_start3A_51 : memref<1x8192xf32, #tpu.memory_space<hbm>> -> memref<8192xf32, #tpu.memory_space<hbm>>
      tpu.enqueue_dma source(%arg14 : memref<8192xf32, #tpu.memory_space<vmem>>) target(%dma_start3A_52 : memref<8192xf32, #tpu.memory_space<hbm>>) target_semaphore(%run_scoped3A : memref<!tpu.dma_semaphore, #tpu.memory_space<semaphore_mem>>)
      %dma_wait3A = arith.constant 8192 : i32
      %dma_wait3A_53 = tpu.memref_slice %arg9[%add3A, %dma_wait3A] : memref<32x16384xf32, #tpu.memory_space<hbm>> -> memref<1x8192xf32, #tpu.memory_space<hbm>>
      %dma_wait3A_54 = tpu.memref_squeeze %dma_wait3A_53 : memref<1x8192xf32, #tpu.memory_space<hbm>> -> memref<8192xf32, #tpu.memory_space<hbm>>
      %dma_wait3A_55 = arith.constant 8192 : i32
      %dma_wait3A_56 = tpu.memref_slice %arg9[%add3A, %dma_wait3A_55] : memref<32x16384xf32, #tpu.memory_space<hbm>> -> memref<1x8192xf32, #tpu.memory_space<hbm>>
      %dma_wait3A_57 = tpu.memref_squeeze %dma_wait3A_56 : memref<1x8192xf32, #tpu.memory_space<hbm>> -> memref<8192xf32, #tpu.memory_space<hbm>>
      tpu.wait_dma2 semaphore(%run_scoped3A : memref<!tpu.dma_semaphore, #tpu.memory_space<semaphore_mem>>) src(%arg14 : memref<8192xf32, #tpu.memory_space<vmem>>) dst(%dma_wait3A_57 : memref<8192xf32, #tpu.memory_space<hbm>>)
      tpu.yield
    }) : () -> ()
    "tpu.region"() ({
      %run_scoped3A = tpu.sem_alloc : memref<!tpu.dma_semaphore, #tpu.memory_space<semaphore_mem>>
      %dma_start3A = arith.constant 0 : i32
      %dma_start3A_48 = tpu.memref_slice %arg7[%add3A, %dma_start3A] : memref<32x100000xf32, #tpu.memory_space<hbm>> -> memref<1x100000xf32, #tpu.memory_space<hbm>>
      %dma_start3A_49 = tpu.memref_squeeze %dma_start3A_48 : memref<1x100000xf32, #tpu.memory_space<hbm>> -> memref<100000xf32, #tpu.memory_space<hbm>>
      %dma_start3A_50 = arith.constant 0 : i32
      %dma_start3A_51 = tpu.memref_slice %arg7[%add3A, %dma_start3A_50] : memref<32x100000xf32, #tpu.memory_space<hbm>> -> memref<1x100000xf32, #tpu.memory_space<hbm>>
      %dma_start3A_52 = tpu.memref_squeeze %dma_start3A_51 : memref<1x100000xf32, #tpu.memory_space<hbm>> -> memref<100000xf32, #tpu.memory_space<hbm>>
      tpu.enqueue_dma source(%dma_start3A_52 : memref<100000xf32, #tpu.memory_space<hbm>>) target(%arg12 : memref<100000xf32, #tpu.memory_space<vmem>>) target_semaphore(%run_scoped3A : memref<!tpu.dma_semaphore, #tpu.memory_space<semaphore_mem>>)
      %dma_wait3A = arith.constant 0 : i32
      %dma_wait3A_53 = tpu.memref_slice %arg7[%add3A, %dma_wait3A] : memref<32x100000xf32, #tpu.memory_space<hbm>> -> memref<1x100000xf32, #tpu.memory_space<hbm>>
      %dma_wait3A_54 = tpu.memref_squeeze %dma_wait3A_53 : memref<1x100000xf32, #tpu.memory_space<hbm>> -> memref<100000xf32, #tpu.memory_space<hbm>>
      %dma_wait3A_55 = arith.constant 0 : i32
      %dma_wait3A_56 = tpu.memref_slice %arg7[%add3A, %dma_wait3A_55] : memref<32x100000xf32, #tpu.memory_space<hbm>> -> memref<1x100000xf32, #tpu.memory_space<hbm>>
      %dma_wait3A_57 = tpu.memref_squeeze %dma_wait3A_56 : memref<1x100000xf32, #tpu.memory_space<hbm>> -> memref<100000xf32, #tpu.memory_space<hbm>>
      tpu.wait_dma2 semaphore(%run_scoped3A : memref<!tpu.dma_semaphore, #tpu.memory_space<semaphore_mem>>) src(%dma_wait3A_57 : memref<100000xf32, #tpu.memory_space<hbm>>) dst(%arg12 : memref<100000xf32, #tpu.memory_space<vmem>>)
      tpu.yield
    }) : () -> ()
    "tpu.region"() ({
      %run_scoped3A = tpu.sem_alloc : memref<!tpu.dma_semaphore, #tpu.memory_space<semaphore_mem>>
      %dma_start3A = arith.constant 0 : i32
      %dma_start3A_48 = tpu.memref_slice %arg3[%dma_start3A] : memref<16384xi32, #tpu.memory_space<hbm>> -> memref<8192xi32, #tpu.memory_space<hbm>>
      %dma_start3A_49 = arith.constant 0 : i32
      %dma_start3A_50 = tpu.memref_slice %arg3[%dma_start3A_49] : memref<16384xi32, #tpu.memory_space<hbm>> -> memref<8192xi32, #tpu.memory_space<hbm>>
      tpu.enqueue_dma source(%dma_start3A_50 : memref<8192xi32, #tpu.memory_space<hbm>>) target(%arg13 : memref<8192xi32, #tpu.memory_space<vmem>>) target_semaphore(%run_scoped3A : memref<!tpu.dma_semaphore, #tpu.memory_space<semaphore_mem>>)
      %dma_wait3A = arith.constant 0 : i32
      %dma_wait3A_51 = tpu.memref_slice %arg3[%dma_wait3A] : memref<16384xi32, #tpu.memory_space<hbm>> -> memref<8192xi32, #tpu.memory_space<hbm>>
      %dma_wait3A_52 = arith.constant 0 : i32
      %dma_wait3A_53 = tpu.memref_slice %arg3[%dma_wait3A_52] : memref<16384xi32, #tpu.memory_space<hbm>> -> memref<8192xi32, #tpu.memory_space<hbm>>
      tpu.wait_dma2 semaphore(%run_scoped3A : memref<!tpu.dma_semaphore, #tpu.memory_space<semaphore_mem>>) src(%dma_wait3A_53 : memref<8192xi32, #tpu.memory_space<hbm>>) dst(%arg13 : memref<8192xi32, #tpu.memory_space<vmem>>)
      tpu.yield
    }) : () -> ()
    %scan3A_36 = arith.constant 0 : i32
    %scan3A_37 = arith.constant 0 : i32
    %scan3A_38 = arith.constant 512 : i32
    %scan3A_39 = arith.addi %scan3A_37, %scan3A_38 : i32
    %scan3A_40 = arith.constant 4 : i32
    scf.for %scan3A_48 = %scan3A_37 to %scan3A_39 step %scan3A_40  : i32 {
      %mul3A_49 = arith.constant 16 : i32
      %mul3A_50 = arith.muli %scan3A_48, %mul3A_49 : i32
      %get3A = arith.index_cast %mul3A_50 : i32 to index
      %get3A_51 = tpu.vector_load %arg13[%get3A] {strides = array<i32>} : memref<8192xi32, #tpu.memory_space<vmem>>, vector<16xi32>,
      %gather3A = tpu.vector_load_idx %arg12[%get3A_51] : memref<100000xf32, #tpu.memory_space<vmem>>[vector<16xi32>], vector<16xf32>,
      %mul3A_52 = arith.constant 16 : i32
      %mul3A_53 = arith.muli %scan3A_48, %mul3A_52 : i32
      %swap3A = arith.index_cast %mul3A_53 : i32 to index
      %swap3A_54 = tpu.vector_load %arg14[%swap3A] {strides = array<i32>} : memref<8192xf32, #tpu.memory_space<vmem>>, vector<16xf32>,
      tpu.vector_store %arg14[%swap3A], %gather3A {strides = array<i32>} : memref<8192xf32, #tpu.memory_space<vmem>>, vector<16xf32>,
      %scan3A_55 = arith.constant 1 : i32
      %scan3A_56 = arith.addi %scan3A_48, %scan3A_55 : i32
      %mul3A_57 = arith.constant 16 : i32
      %mul3A_58 = arith.muli %scan3A_56, %mul3A_57 : i32
      %get3A_59 = arith.index_cast %mul3A_58 : i32 to index
      %get3A_60 = tpu.vector_load %arg13[%get3A_59] {strides = array<i32>} : memref<8192xi32, #tpu.memory_space<vmem>>, vector<16xi32>,
      %gather3A_61 = tpu.vector_load_idx %arg12[%get3A_60] : memref<100000xf32, #tpu.memory_space<vmem>>[vector<16xi32>], vector<16xf32>,
      %mul3A_62 = arith.constant 16 : i32
      %mul3A_63 = arith.muli %scan3A_56, %mul3A_62 : i32
      %swap3A_64 = arith.index_cast %mul3A_63 : i32 to index
      %swap3A_65 = tpu.vector_load %arg14[%swap3A_64] {strides = array<i32>} : memref<8192xf32, #tpu.memory_space<vmem>>, vector<16xf32>,
      tpu.vector_store %arg14[%swap3A_64], %gather3A_61 {strides = array<i32>} : memref<8192xf32, #tpu.memory_space<vmem>>, vector<16xf32>,
      %scan3A_66 = arith.constant 2 : i32
      %scan3A_67 = arith.addi %scan3A_48, %scan3A_66 : i32
      %mul3A_68 = arith.constant 16 : i32
      %mul3A_69 = arith.muli %scan3A_67, %mul3A_68 : i32
      %get3A_70 = arith.index_cast %mul3A_69 : i32 to index
      %get3A_71 = tpu.vector_load %arg13[%get3A_70] {strides = array<i32>} : memref<8192xi32, #tpu.memory_space<vmem>>, vector<16xi32>,
      %gather3A_72 = tpu.vector_load_idx %arg12[%get3A_71] : memref<100000xf32, #tpu.memory_space<vmem>>[vector<16xi32>], vector<16xf32>,
      %mul3A_73 = arith.constant 16 : i32
      %mul3A_74 = arith.muli %scan3A_67, %mul3A_73 : i32
      %swap3A_75 = arith.index_cast %mul3A_74 : i32 to index
      %swap3A_76 = tpu.vector_load %arg14[%swap3A_75] {strides = array<i32>} : memref<8192xf32, #tpu.memory_space<vmem>>, vector<16xf32>,
      tpu.vector_store %arg14[%swap3A_75], %gather3A_72 {strides = array<i32>} : memref<8192xf32, #tpu.memory_space<vmem>>, vector<16xf32>,
      %scan3A_77 = arith.constant 3 : i32
      %scan3A_78 = arith.addi %scan3A_48, %scan3A_77 : i32
      %mul3A_79 = arith.constant 16 : i32
      %mul3A_80 = arith.muli %scan3A_78, %mul3A_79 : i32
      %get3A_81 = arith.index_cast %mul3A_80 : i32 to index
      %get3A_82 = tpu.vector_load %arg13[%get3A_81] {strides = array<i32>} : memref<8192xi32, #tpu.memory_space<vmem>>, vector<16xi32>,
      %gather3A_83 = tpu.vector_load_idx %arg12[%get3A_82] : memref<100000xf32, #tpu.memory_space<vmem>>[vector<16xi32>], vector<16xf32>,
      %mul3A_84 = arith.constant 16 : i32
      %mul3A_85 = arith.muli %scan3A_78, %mul3A_84 : i32
      %swap3A_86 = arith.index_cast %mul3A_85 : i32 to index
      %swap3A_87 = tpu.vector_load %arg14[%swap3A_86] {strides = array<i32>} : memref<8192xf32, #tpu.memory_space<vmem>>, vector<16xf32>,
      tpu.vector_store %arg14[%swap3A_86], %gather3A_83 {strides = array<i32>} : memref<8192xf32, #tpu.memory_space<vmem>>, vector<16xf32>,
    }
    %scan3A_41 = arith.constant 512 : i32
    "tpu.region"() ({
      %run_scoped3A = tpu.sem_alloc : memref<!tpu.dma_semaphore, #tpu.memory_space<semaphore_mem>>
      %dma_start3A = arith.constant 0 : i32
      %dma_start3A_48 = tpu.memref_slice %arg11[%add3A, %dma_start3A] : memref<32x16384xf32, #tpu.memory_space<hbm>> -> memref<1x8192xf32, #tpu.memory_space<hbm>>
      %dma_start3A_49 = tpu.memref_squeeze %dma_start3A_48 : memref<1x8192xf32, #tpu.memory_space<hbm>> -> memref<8192xf32, #tpu.memory_space<hbm>>
      %dma_start3A_50 = arith.constant 0 : i32
      %dma_start3A_51 = tpu.memref_slice %arg11[%add3A, %dma_start3A_50] : memref<32x16384xf32, #tpu.memory_space<hbm>> -> memref<1x8192xf32, #tpu.memory_space<hbm>>
      %dma_start3A_52 = tpu.memref_squeeze %dma_start3A_51 : memref<1x8192xf32, #tpu.memory_space<hbm>> -> memref<8192xf32, #tpu.memory_space<hbm>>
      tpu.enqueue_dma source(%arg14 : memref<8192xf32, #tpu.memory_space<vmem>>) target(%dma_start3A_52 : memref<8192xf32, #tpu.memory_space<hbm>>) target_semaphore(%run_scoped3A : memref<!tpu.dma_semaphore, #tpu.memory_space<semaphore_mem>>)
      %dma_wait3A = arith.constant 0 : i32
      %dma_wait3A_53 = tpu.memref_slice %arg11[%add3A, %dma_wait3A] : memref<32x16384xf32, #tpu.memory_space<hbm>> -> memref<1x8192xf32, #tpu.memory_space<hbm>>
      %dma_wait3A_54 = tpu.memref_squeeze %dma_wait3A_53 : memref<1x8192xf32, #tpu.memory_space<hbm>> -> memref<8192xf32, #tpu.memory_space<hbm>>
      %dma_wait3A_55 = arith.constant 0 : i32
      %dma_wait3A_56 = tpu.memref_slice %arg11[%add3A, %dma_wait3A_55] : memref<32x16384xf32, #tpu.memory_space<hbm>> -> memref<1x8192xf32, #tpu.memory_space<hbm>>
      %dma_wait3A_57 = tpu.memref_squeeze %dma_wait3A_56 : memref<1x8192xf32, #tpu.memory_space<hbm>> -> memref<8192xf32, #tpu.memory_space<hbm>>
      tpu.wait_dma2 semaphore(%run_scoped3A : memref<!tpu.dma_semaphore, #tpu.memory_space<semaphore_mem>>) src(%arg14 : memref<8192xf32, #tpu.memory_space<vmem>>) dst(%dma_wait3A_57 : memref<8192xf32, #tpu.memory_space<hbm>>)
      tpu.yield
    }) : () -> ()
    "tpu.region"() ({
      %run_scoped3A = tpu.sem_alloc : memref<!tpu.dma_semaphore, #tpu.memory_space<semaphore_mem>>
      %dma_start3A = arith.constant 8192 : i32
      %dma_start3A_48 = tpu.memref_slice %arg3[%dma_start3A] : memref<16384xi32, #tpu.memory_space<hbm>> -> memref<8192xi32, #tpu.memory_space<hbm>>
      %dma_start3A_49 = arith.constant 8192 : i32
      %dma_start3A_50 = tpu.memref_slice %arg3[%dma_start3A_49] : memref<16384xi32, #tpu.memory_space<hbm>> -> memref<8192xi32, #tpu.memory_space<hbm>>
      tpu.enqueue_dma source(%dma_start3A_50 : memref<8192xi32, #tpu.memory_space<hbm>>) target(%arg13 : memref<8192xi32, #tpu.memory_space<vmem>>) target_semaphore(%run_scoped3A : memref<!tpu.dma_semaphore, #tpu.memory_space<semaphore_mem>>)
      %dma_wait3A = arith.constant 8192 : i32
      %dma_wait3A_51 = tpu.memref_slice %arg3[%dma_wait3A] : memref<16384xi32, #tpu.memory_space<hbm>> -> memref<8192xi32, #tpu.memory_space<hbm>>
      %dma_wait3A_52 = arith.constant 8192 : i32
      %dma_wait3A_53 = tpu.memref_slice %arg3[%dma_wait3A_52] : memref<16384xi32, #tpu.memory_space<hbm>> -> memref<8192xi32, #tpu.memory_space<hbm>>
      tpu.wait_dma2 semaphore(%run_scoped3A : memref<!tpu.dma_semaphore, #tpu.memory_space<semaphore_mem>>) src(%dma_wait3A_53 : memref<8192xi32, #tpu.memory_space<hbm>>) dst(%arg13 : memref<8192xi32, #tpu.memory_space<vmem>>)
      tpu.yield
    }) : () -> ()
    %scan3A_42 = arith.constant 0 : i32
    %scan3A_43 = arith.constant 0 : i32
    %scan3A_44 = arith.constant 512 : i32
    %scan3A_45 = arith.addi %scan3A_43, %scan3A_44 : i32
    %scan3A_46 = arith.constant 4 : i32
    scf.for %scan3A_48 = %scan3A_43 to %scan3A_45 step %scan3A_46  : i32 {
      %mul3A_49 = arith.constant 16 : i32
      %mul3A_50 = arith.muli %scan3A_48, %mul3A_49 : i32
      %get3A = arith.index_cast %mul3A_50 : i32 to index
      %get3A_51 = tpu.vector_load %arg13[%get3A] {strides = array<i32>} : memref<8192xi32, #tpu.memory_space<vmem>>, vector<16xi32>,
      %gather3A = tpu.vector_load_idx %arg12[%get3A_51] : memref<100000xf32, #tpu.memory_space<vmem>>[vector<16xi32>], vector<16xf32>,
      %mul3A_52 = arith.constant 16 : i32
      %mul3A_53 = arith.muli %scan3A_48, %mul3A_52 : i32
      %swap3A = arith.index_cast %mul3A_53 : i32 to index
      %swap3A_54 = tpu.vector_load %arg14[%swap3A] {strides = array<i32>} : memref<8192xf32, #tpu.memory_space<vmem>>, vector<16xf32>,
      tpu.vector_store %arg14[%swap3A], %gather3A {strides = array<i32>} : memref<8192xf32, #tpu.memory_space<vmem>>, vector<16xf32>,
      %scan3A_55 = arith.constant 1 : i32
      %scan3A_56 = arith.addi %scan3A_48, %scan3A_55 : i32
      %mul3A_57 = arith.constant 16 : i32
      %mul3A_58 = arith.muli %scan3A_56, %mul3A_57 : i32
      %get3A_59 = arith.index_cast %mul3A_58 : i32 to index
      %get3A_60 = tpu.vector_load %arg13[%get3A_59] {strides = array<i32>} : memref<8192xi32, #tpu.memory_space<vmem>>, vector<16xi32>,
      %gather3A_61 = tpu.vector_load_idx %arg12[%get3A_60] : memref<100000xf32, #tpu.memory_space<vmem>>[vector<16xi32>], vector<16xf32>,
      %mul3A_62 = arith.constant 16 : i32
      %mul3A_63 = arith.muli %scan3A_56, %mul3A_62 : i32
      %swap3A_64 = arith.index_cast %mul3A_63 : i32 to index
      %swap3A_65 = tpu.vector_load %arg14[%swap3A_64] {strides = array<i32>} : memref<8192xf32, #tpu.memory_space<vmem>>, vector<16xf32>,
      tpu.vector_store %arg14[%swap3A_64], %gather3A_61 {strides = array<i32>} : memref<8192xf32, #tpu.memory_space<vmem>>, vector<16xf32>,
      %scan3A_66 = arith.constant 2 : i32
      %scan3A_67 = arith.addi %scan3A_48, %scan3A_66 : i32
      %mul3A_68 = arith.constant 16 : i32
      %mul3A_69 = arith.muli %scan3A_67, %mul3A_68 : i32
      %get3A_70 = arith.index_cast %mul3A_69 : i32 to index
      %get3A_71 = tpu.vector_load %arg13[%get3A_70] {strides = array<i32>} : memref<8192xi32, #tpu.memory_space<vmem>>, vector<16xi32>,
      %gather3A_72 = tpu.vector_load_idx %arg12[%get3A_71] : memref<100000xf32, #tpu.memory_space<vmem>>[vector<16xi32>], vector<16xf32>,
      %mul3A_73 = arith.constant 16 : i32
      %mul3A_74 = arith.muli %scan3A_67, %mul3A_73 : i32
      %swap3A_75 = arith.index_cast %mul3A_74 : i32 to index
      %swap3A_76 = tpu.vector_load %arg14[%swap3A_75] {strides = array<i32>} : memref<8192xf32, #tpu.memory_space<vmem>>, vector<16xf32>,
      tpu.vector_store %arg14[%swap3A_75], %gather3A_72 {strides = array<i32>} : memref<8192xf32, #tpu.memory_space<vmem>>, vector<16xf32>,
      %scan3A_77 = arith.constant 3 : i32
      %scan3A_78 = arith.addi %scan3A_48, %scan3A_77 : i32
      %mul3A_79 = arith.constant 16 : i32
      %mul3A_80 = arith.muli %scan3A_78, %mul3A_79 : i32
      %get3A_81 = arith.index_cast %mul3A_80 : i32 to index
      %get3A_82 = tpu.vector_load %arg13[%get3A_81] {strides = array<i32>} : memref<8192xi32, #tpu.memory_space<vmem>>, vector<16xi32>,
      %gather3A_83 = tpu.vector_load_idx %arg12[%get3A_82] : memref<100000xf32, #tpu.memory_space<vmem>>[vector<16xi32>], vector<16xf32>,
      %mul3A_84 = arith.constant 16 : i32
      %mul3A_85 = arith.muli %scan3A_78, %mul3A_84 : i32
      %swap3A_86 = arith.index_cast %mul3A_85 : i32 to index
      %swap3A_87 = tpu.vector_load %arg14[%swap3A_86] {strides = array<i32>} : memref<8192xf32, #tpu.memory_space<vmem>>, vector<16xf32>,
      tpu.vector_store %arg14[%swap3A_86], %gather3A_83 {strides = array<i32>} : memref<8192xf32, #tpu.memory_space<vmem>>, vector<16xf32>,
    }
    %scan3A_47 = arith.constant 512 : i32
    "tpu.region"() ({
      %run_scoped3A = tpu.sem_alloc : memref<!tpu.dma_semaphore, #tpu.memory_space<semaphore_mem>>
      %dma_start3A = arith.constant 8192 : i32
      %dma_start3A_48 = tpu.memref_slice %arg11[%add3A, %dma_start3A] : memref<32x16384xf32, #tpu.memory_space<hbm>> -> memref<1x8192xf32, #tpu.memory_space<hbm>>
      %dma_start3A_49 = tpu.memref_squeeze %dma_start3A_48 : memref<1x8192xf32, #tpu.memory_space<hbm>> -> memref<8192xf32, #tpu.memory_space<hbm>>
      %dma_start3A_50 = arith.constant 8192 : i32
      %dma_start3A_51 = tpu.memref_slice %arg11[%add3A, %dma_start3A_50] : memref<32x16384xf32, #tpu.memory_space<hbm>> -> memref<1x8192xf32, #tpu.memory_space<hbm>>
      %dma_start3A_52 = tpu.memref_squeeze %dma_start3A_51 : memref<1x8192xf32, #tpu.memory_space<hbm>> -> memref<8192xf32, #tpu.memory_space<hbm>>
      tpu.enqueue_dma source(%arg14 : memref<8192xf32, #tpu.memory_space<vmem>>) target(%dma_start3A_52 : memref<8192xf32, #tpu.memory_space<hbm>>) target_semaphore(%run_scoped3A : memref<!tpu.dma_semaphore, #tpu.memory_space<semaphore_mem>>)
      %dma_wait3A = arith.constant 8192 : i32
      %dma_wait3A_53 = tpu.memref_slice %arg11[%add3A, %dma_wait3A] : memref<32x16384xf32, #tpu.memory_space<hbm>> -> memref<1x8192xf32, #tpu.memory_space<hbm>>
      %dma_wait3A_54 = tpu.memref_squeeze %dma_wait3A_53 : memref<1x8192xf32, #tpu.memory_space<hbm>> -> memref<8192xf32, #tpu.memory_space<hbm>>
      %dma_wait3A_55 = arith.constant 8192 : i32
      %dma_wait3A_56 = tpu.memref_slice %arg11[%add3A, %dma_wait3A_55] : memref<32x16384xf32, #tpu.memory_space<hbm>> -> memref<1x8192xf32, #tpu.memory_space<hbm>>
      %dma_wait3A_57 = tpu.memref_squeeze %dma_wait3A_56 : memref<1x8192xf32, #tpu.memory_space<hbm>> -> memref<8192xf32, #tpu.memory_space<hbm>>
      tpu.wait_dma2 semaphore(%run_scoped3A : memref<!tpu.dma_semaphore, #tpu.memory_space<semaphore_mem>>) src(%arg14 : memref<8192xf32, #tpu.memory_space<vmem>>) dst(%dma_wait3A_57 : memref<8192xf32, #tpu.memory_space<hbm>>)
      tpu.yield
    }) : () -> ()
    return
  }
}

module attributes {stable_mosaic.version = 14 : i64} {
  func.func @_tc_mlp(%arg0: i32, %arg1: memref<32x2048xf32, #tpu.memory_space<vmem>>, %arg2: memref<32x2048xf32, #tpu.memory_space<vmem>>, %arg3: memref<32x2048xf32, #tpu.memory_space<vmem>>, %arg4: memref<32x2048xf32, #tpu.memory_space<vmem>>, %arg5: memref<64x32xf32, #tpu.memory_space<vmem>>, %arg6: memref<64x32xf32, #tpu.memory_space<vmem>>, %arg7: memref<64x1xf32, #tpu.memory_space<vmem>>, %arg8: memref<32x64xf32, #tpu.memory_space<vmem>>, %arg9: memref<32x1xf32, #tpu.memory_space<vmem>>, %arg10: memref<16x32xf32, #tpu.memory_space<vmem>>, %arg11: memref<16x1xf32, #tpu.memory_space<vmem>>, %arg12: memref<1x32xf32, #tpu.memory_space<vmem>>, %arg13: memref<1x16xf32, #tpu.memory_space<vmem>>, %arg14: memref<1x1xf32, #tpu.memory_space<vmem>>, %arg15: memref<1x2048xf32, #tpu.memory_space<vmem>>) attributes {dimension_semantics = [#tpu.dimension_semantics<arbitrary>], iteration_bounds = array<i64: 8>, scalar_prefetch = 0 : i64, scratch_operands = 0 : i64, tpu.core_type = #tpu.core_type<tc>, window_params = [{transform_indices = @transform_0, window_bounds = array<i64: 32, 2048>}, {transform_indices = @transform_1, window_bounds = array<i64: 32, 2048>}, {transform_indices = @transform_2, window_bounds = array<i64: 32, 2048>}, {transform_indices = @transform_3, window_bounds = array<i64: 32, 2048>}, {pipeline_mode = #tpu.pipeline_mode<synchronous>, transform_indices = @transform_4, window_bounds = array<i64: 64, 32>}, {pipeline_mode = #tpu.pipeline_mode<synchronous>, transform_indices = @transform_5, window_bounds = array<i64: 64, 32>}, {pipeline_mode = #tpu.pipeline_mode<synchronous>, transform_indices = @transform_6, window_bounds = array<i64: 64, 1>}, {pipeline_mode = #tpu.pipeline_mode<synchronous>, transform_indices = @transform_7, window_bounds = array<i64: 32, 64>}, {pipeline_mode = #tpu.pipeline_mode<synchronous>, transform_indices = @transform_8, window_bounds = array<i64: 32, 1>}, {pipeline_mode = #tpu.pipeline_mode<synchronous>, transform_indices = @transform_9, window_bounds = array<i64: 16, 32>}, {pipeline_mode = #tpu.pipeline_mode<synchronous>, transform_indices = @transform_10, window_bounds = array<i64: 16, 1>}, {pipeline_mode = #tpu.pipeline_mode<synchronous>, transform_indices = @transform_11, window_bounds = array<i64: 1, 32>}, {pipeline_mode = #tpu.pipeline_mode<synchronous>, transform_indices = @transform_12, window_bounds = array<i64: 1, 16>}, {pipeline_mode = #tpu.pipeline_mode<synchronous>, transform_indices = @transform_13, window_bounds = array<i64: 1, 1>}, {transform_indices = @transform_14, window_bounds = array<i64: 1, 2048>}]} {
    %get3A = arith.constant 0 : index
    %get3A_0 = arith.constant 0 : index
    %get3A_1 = vector.load %arg5[%get3A, %get3A_0] : memref<64x32xf32, #tpu.memory_space<vmem>>, vector<64x32xf32>
    %get3A_2 = arith.constant 0 : index
    %get3A_3 = arith.constant 0 : index
    %get3A_4 = vector.load %arg3[%get3A_2, %get3A_3] : memref<32x2048xf32, #tpu.memory_space<vmem>>, vector<32x2048xf32>
    %dot_general3A = arith.constant dense<0.000000e+00> : vector<64x2048xf32>
    %dot_general3A_5 = tpu.matmul %get3A_1, %get3A_4, %dot_general3A {dimension_numbers = #tpu.dot_dimension_numbers<[1], [0], [0], [1], [0, 0, 1, 1], [], []>, transpose_lhs_hint = false} : vector<64x32xf32>, vector<32x2048xf32>, vector<64x2048xf32> -> vector<64x2048xf32>
    %get3A_6 = arith.constant 0 : index
    %get3A_7 = arith.constant 0 : index
    %get3A_8 = vector.load %arg6[%get3A_6, %get3A_7] : memref<64x32xf32, #tpu.memory_space<vmem>>, vector<64x32xf32>
    %get3A_9 = arith.constant 0 : index
    %get3A_10 = arith.constant 0 : index
    %get3A_11 = vector.load %arg4[%get3A_9, %get3A_10] : memref<32x2048xf32, #tpu.memory_space<vmem>>, vector<32x2048xf32>
    %dot_general3A_12 = arith.constant dense<0.000000e+00> : vector<64x2048xf32>
    %dot_general3A_13 = tpu.matmul %get3A_8, %get3A_11, %dot_general3A_12 {dimension_numbers = #tpu.dot_dimension_numbers<[1], [0], [0], [1], [0, 0, 1, 1], [], []>, transpose_lhs_hint = false} : vector<64x32xf32>, vector<32x2048xf32>, vector<64x2048xf32> -> vector<64x2048xf32>
    %add3A = arith.addf %dot_general3A_5, %dot_general3A_13 : vector<64x2048xf32>
    %get3A_14 = arith.constant 0 : index
    %get3A_15 = arith.constant 0 : index
    %get3A_16 = vector.load %arg7[%get3A_14, %get3A_15] : memref<64x1xf32, #tpu.memory_space<vmem>>, vector<64x1xf32>
    %add3A_17 = vector.broadcast %get3A_16 : vector<64x1xf32> to vector<64x2048xf32>
    %add3A_18 = arith.addf %add3A, %add3A_17 : vector<64x2048xf32>
    %max3A = arith.constant 0.000000e+00 : f32
    %max3A_19 = vector.broadcast %max3A : f32 to vector<64x2048xf32>
    %max3A_20 = arith.maximumf %add3A_18, %max3A_19 : vector<64x2048xf32>
    %get3A_21 = arith.constant 0 : index
    %get3A_22 = arith.constant 0 : index
    %get3A_23 = vector.load %arg8[%get3A_21, %get3A_22] : memref<32x64xf32, #tpu.memory_space<vmem>>, vector<32x64xf32>
    %dot_general3A_24 = arith.constant dense<0.000000e+00> : vector<32x2048xf32>
    %dot_general3A_25 = tpu.matmul %get3A_23, %max3A_20, %dot_general3A_24 {dimension_numbers = #tpu.dot_dimension_numbers<[1], [0], [0], [1], [0, 0, 1, 1], [], []>, transpose_lhs_hint = false} : vector<32x64xf32>, vector<64x2048xf32>, vector<32x2048xf32> -> vector<32x2048xf32>
    %get3A_26 = arith.constant 0 : index
    %get3A_27 = arith.constant 0 : index
    %get3A_28 = vector.load %arg9[%get3A_26, %get3A_27] : memref<32x1xf32, #tpu.memory_space<vmem>>, vector<32x1xf32>
    %add3A_29 = vector.broadcast %get3A_28 : vector<32x1xf32> to vector<32x2048xf32>
    %add3A_30 = arith.addf %dot_general3A_25, %add3A_29 : vector<32x2048xf32>
    %max3A_31 = arith.constant 0.000000e+00 : f32
    %max3A_32 = vector.broadcast %max3A_31 : f32 to vector<32x2048xf32>
    %max3A_33 = arith.maximumf %add3A_30, %max3A_32 : vector<32x2048xf32>
    %get3A_34 = arith.constant 0 : index
    %get3A_35 = arith.constant 0 : index
    %get3A_36 = vector.load %arg10[%get3A_34, %get3A_35] : memref<16x32xf32, #tpu.memory_space<vmem>>, vector<16x32xf32>
    %dot_general3A_37 = arith.constant dense<0.000000e+00> : vector<16x2048xf32>
    %dot_general3A_38 = tpu.matmul %get3A_36, %max3A_33, %dot_general3A_37 {dimension_numbers = #tpu.dot_dimension_numbers<[1], [0], [0], [1], [0, 0, 1, 1], [], []>, transpose_lhs_hint = false} : vector<16x32xf32>, vector<32x2048xf32>, vector<16x2048xf32> -> vector<16x2048xf32>
    %get3A_39 = arith.constant 0 : index
    %get3A_40 = arith.constant 0 : index
    %get3A_41 = vector.load %arg11[%get3A_39, %get3A_40] : memref<16x1xf32, #tpu.memory_space<vmem>>, vector<16x1xf32>
    %add3A_42 = vector.broadcast %get3A_41 : vector<16x1xf32> to vector<16x2048xf32>
    %add3A_43 = arith.addf %dot_general3A_38, %add3A_42 : vector<16x2048xf32>
    %max3A_44 = arith.constant 0.000000e+00 : f32
    %max3A_45 = vector.broadcast %max3A_44 : f32 to vector<16x2048xf32>
    %max3A_46 = arith.maximumf %add3A_43, %max3A_45 : vector<16x2048xf32>
    %get3A_47 = arith.constant 0 : index
    %get3A_48 = arith.constant 0 : index
    %get3A_49 = vector.load %arg1[%get3A_47, %get3A_48] : memref<32x2048xf32, #tpu.memory_space<vmem>>, vector<32x2048xf32>
    %get3A_50 = arith.constant 0 : index
    %get3A_51 = arith.constant 0 : index
    %get3A_52 = vector.load %arg2[%get3A_50, %get3A_51] : memref<32x2048xf32, #tpu.memory_space<vmem>>, vector<32x2048xf32>
    %mul3A = arith.mulf %get3A_49, %get3A_52 : vector<32x2048xf32>
    %get3A_53 = arith.constant 0 : index
    %get3A_54 = arith.constant 0 : index
    %get3A_55 = vector.load %arg12[%get3A_53, %get3A_54] : memref<1x32xf32, #tpu.memory_space<vmem>>, vector<1x32xf32>
    %dot_general3A_56 = arith.constant dense<0.000000e+00> : vector<1x2048xf32>
    %dot_general3A_57 = tpu.matmul %get3A_55, %mul3A, %dot_general3A_56 {dimension_numbers = #tpu.dot_dimension_numbers<[1], [0], [0], [1], [0, 0, 1, 1], [], []>, transpose_lhs_hint = false} : vector<1x32xf32>, vector<32x2048xf32>, vector<1x2048xf32> -> vector<1x2048xf32>
    %get3A_58 = arith.constant 0 : index
    %get3A_59 = arith.constant 0 : index
    %get3A_60 = vector.load %arg13[%get3A_58, %get3A_59] : memref<1x16xf32, #tpu.memory_space<vmem>>, vector<1x16xf32>
    %dot_general3A_61 = arith.constant dense<0.000000e+00> : vector<1x2048xf32>
    %dot_general3A_62 = tpu.matmul %get3A_60, %max3A_46, %dot_general3A_61 {dimension_numbers = #tpu.dot_dimension_numbers<[1], [0], [0], [1], [0, 0, 1, 1], [], []>, transpose_lhs_hint = false} : vector<1x16xf32>, vector<16x2048xf32>, vector<1x2048xf32> -> vector<1x2048xf32>
    %add3A_63 = arith.addf %dot_general3A_57, %dot_general3A_62 : vector<1x2048xf32>
    %get3A_64 = arith.constant 0 : index
    %get3A_65 = arith.constant 0 : index
    %get3A_66 = vector.load %arg14[%get3A_64, %get3A_65] : memref<1x1xf32, #tpu.memory_space<vmem>>, vector<1x1xf32>
    %add3A_67 = vector.broadcast %get3A_66 : vector<1x1xf32> to vector<1x2048xf32>
    %add3A_68 = arith.addf %add3A_63, %add3A_67 : vector<1x2048xf32>
    %swap3A = arith.constant 0 : index
    %swap3A_69 = arith.constant 0 : index
    %swap3A_70 = vector.load %arg15[%swap3A, %swap3A_69] : memref<1x2048xf32, #tpu.memory_space<vmem>>, vector<1x2048xf32>
    tpu.vector_store %arg15[%swap3A, %swap3A_69], %add3A_68 {strides = array<i32>} : memref<1x2048xf32, #tpu.memory_space<vmem>>, vector<1x2048xf32>,
    return
  }
  func.func @transform_0(%arg0: i32) -> (i32, i32) {
    %c0_i32 = arith.constant 0 : i32
    %c0_i32_0 = arith.constant 0 : i32
    return %c0_i32, %arg0 : i32, i32
  }
  func.func @transform_1(%arg0: i32) -> (i32, i32) {
    %c0_i32 = arith.constant 0 : i32
    %c0_i32_0 = arith.constant 0 : i32
    return %c0_i32, %arg0 : i32, i32
  }
  func.func @transform_2(%arg0: i32) -> (i32, i32) {
    %c0_i32 = arith.constant 0 : i32
    %c0_i32_0 = arith.constant 0 : i32
    return %c0_i32, %arg0 : i32, i32
  }
  func.func @transform_3(%arg0: i32) -> (i32, i32) {
    %c0_i32 = arith.constant 0 : i32
    %c0_i32_0 = arith.constant 0 : i32
    return %c0_i32, %arg0 : i32, i32
  }
  func.func @transform_4(%arg0: i32) -> (i32, i32) {
    %c0_i32 = arith.constant 0 : i32
    %c0_i32_0 = arith.constant 0 : i32
    %c0_i32_1 = arith.constant 0 : i32
    return %c0_i32, %c0_i32_0 : i32, i32
  }
  func.func @transform_5(%arg0: i32) -> (i32, i32) {
    %c0_i32 = arith.constant 0 : i32
    %c0_i32_0 = arith.constant 0 : i32
    %c0_i32_1 = arith.constant 0 : i32
    return %c0_i32, %c0_i32_0 : i32, i32
  }
  func.func @transform_6(%arg0: i32) -> (i32, i32) {
    %c0_i32 = arith.constant 0 : i32
    %c0_i32_0 = arith.constant 0 : i32
    %c0_i32_1 = arith.constant 0 : i32
    return %c0_i32, %c0_i32_0 : i32, i32
  }
  func.func @transform_7(%arg0: i32) -> (i32, i32) {
    %c0_i32 = arith.constant 0 : i32
    %c0_i32_0 = arith.constant 0 : i32
    %c0_i32_1 = arith.constant 0 : i32
    return %c0_i32, %c0_i32_0 : i32, i32
  }
  func.func @transform_8(%arg0: i32) -> (i32, i32) {
    %c0_i32 = arith.constant 0 : i32
    %c0_i32_0 = arith.constant 0 : i32
    %c0_i32_1 = arith.constant 0 : i32
    return %c0_i32, %c0_i32_0 : i32, i32
  }
  func.func @transform_9(%arg0: i32) -> (i32, i32) {
    %c0_i32 = arith.constant 0 : i32
    %c0_i32_0 = arith.constant 0 : i32
    %c0_i32_1 = arith.constant 0 : i32
    return %c0_i32, %c0_i32_0 : i32, i32
  }
  func.func @transform_10(%arg0: i32) -> (i32, i32) {
    %c0_i32 = arith.constant 0 : i32
    %c0_i32_0 = arith.constant 0 : i32
    %c0_i32_1 = arith.constant 0 : i32
    return %c0_i32, %c0_i32_0 : i32, i32
  }
  func.func @transform_11(%arg0: i32) -> (i32, i32) {
    %c0_i32 = arith.constant 0 : i32
    %c0_i32_0 = arith.constant 0 : i32
    %c0_i32_1 = arith.constant 0 : i32
    return %c0_i32, %c0_i32_0 : i32, i32
  }
  func.func @transform_12(%arg0: i32) -> (i32, i32) {
    %c0_i32 = arith.constant 0 : i32
    %c0_i32_0 = arith.constant 0 : i32
    %c0_i32_1 = arith.constant 0 : i32
    return %c0_i32, %c0_i32_0 : i32, i32
  }
  func.func @transform_13(%arg0: i32) -> (i32, i32) {
    %c0_i32 = arith.constant 0 : i32
    %c0_i32_0 = arith.constant 0 : i32
    %c0_i32_1 = arith.constant 0 : i32
    return %c0_i32, %c0_i32_0 : i32, i32
  }
  func.func @transform_14(%arg0: i32) -> (i32, i32) {
    %c0_i32 = arith.constant 0 : i32
    %c0_i32_0 = arith.constant 0 : i32
    return %c0_i32, %arg0 : i32, i32
  }
}

</mosaic_0001>

<sc_bundles>
// kernel: kernel.4.cloned.1.call-start
scs
__scs_entry_jumppad:
0x0: {  	(pc) =	sbr.rel $0x88, $3  }
0x1: {  	(tag) =	ssettag $0x0;
	lr =	simm.s32 $0x1  }
0x2: {  	[smem:$0x3F93] =	sst lr;
	_ =	strace $0xD0000000  }
0x3: {  	_ = 	snop  }
0x4: {  	_ = 	snop  }
0x5: {  	_ = 	snop  }
0x6: {  	_ = 	snop  }
0x7: {  	_ = 	snop  }
__scs_overlays_trampoline_lowered:
0x8: {  	[smem:$0x3FA2] =	sst s0  }
0x9: {  	[smem:$0x3FA3] =	sst s1  }
0xa: {  	[smem:$0x3FA4] =	sst s2  }
0xb: {  	[smem:$0x3FA5] =	sst s3  }
0xc: {  	[smem:$0x3FA6] =	sst s4  }
0xd: {  	[smem:$0x3FA7] =	sst s5  }
0xe: {  	[smem:$0x3FA8] =	sst s6  }
0xf: {  	[smem:$0x3FA9] =	sst s7  }
0x10: {  	[smem:$0x3FAA] =	sst s8  }
0x11: {  	[smem:$0x3FAB] =	sst s9;
	s0 =	simm.s32 @!p0 $0x0  }
0x12: {  	s1 =	sld [smem:$0x3F91];
	s0 =	simm.s32 @p0 $0x1  }
0x13: {  	[smem:$0x3FAC] =	sst s0;
	s0 =	simm.s32 @!p1 $0x0  }
0x14: {  	s2 =	sld [smem:$0x3F90];
	s0 =	simm.s32 @p1 $0x1  }
0x15: {  	[smem:$0x3FAD] =	sst s0;
	s0 =	simm.s32 @!p2 $0x0  }
0x16: {  	s3 =	sld [smem:$0x3FDB];
	s0 =	simm.s32 @p2 $0x1  }
0x17: {  	s4 =	simm.s32 $0x1BF5;
	[smem:$0x3FAF] =	sst s0  }
0x18: {  	s0 =	sld [smem:$0x3F92];
	_ =	swait.ge [sflag:s4], $0x0  }
0x19: {  	s7 =	sld [smem:$0x3F93]  }
0x1a: {  	s8 =	sadd.s32 $0xFFFFE003, lr  }
0x1b: {  	s9 =	sadd.s32 $0xFFFFFEF7, lr;
	s5 =	simm.s32 $0xFFFFFFFF;
	p2 =	slt.u32 s8, $0xFFFFF086  }
0x1c: {  	p1 =	slt.u32 s9, $0xF7A;
	s5 =	simm.s32 @!p2 $0x0  }
0x1d: {  	s5 =	simm.s32 @p1 $0x1;
	p0 =	seq.s32 s7, s2  }
0x1e: {  	s7 =	smul.u32 @!p0 $0xF7A, s2;
	p2 =	seq.s32 @!p0 s5, $0x0  }
0x1f: {  	s9 =	smul.u32 $0xF7A, s1;
	s8 =	simm.s32 @!p0 $0x1BF5;
	p2 =	por !p2, p0  }
0x20: {  	[sflag:s8] =	ssyncset.s32 @!p0 $0xFFFFF086;
	s6 =	sadd.s32 @!p0 s3, s7;
	s7 =	simm.s32 @!p0 $0x108  }
0x21: {  	s3 =	sadd.s32 s3, s9;
	s6 =	sadd.s32 @!p0 $0x88, s6;
	s7 =	simm.s32 @p2 $0x1082  }
0x22: {  	[simem:s7], [sflag:s8] =	dma.local @!p0 [hbm:s6], $0xF7A  }
0x23: {  	s9 =	sor.u32 $0xD0000000, s2;
	s6 =	simm.s32 $0x108;
	_ =	swait.ge @!p0 [sflag:s8], $0x0  }
0x24: {  	s3 =	sadd.s32 $0x88, s3;
	s6 =	simm.s32 @!p1 $0x1082;
	[sflag:s4] =	ssyncset.s32 $0xFFFFF086  }
0x25: {  	[simem:s6], [sflag:s4] =	dma.local [hbm:s3], $0xF7A  }
0x26: {  	[smem:$0x3F93] =	sst s1;
	(tag) =	ssettag s2;
	_ =	strace s9  }
0x27: {  	s1 =	sld [smem:$0x3FA3]  }
0x28: {  	s2 =	sld [smem:$0x3FA4]  }
0x29: {  	s4 =	sld [smem:$0x3FA6]  }
0x2a: {  	p0 =	seq.s32 s5, $0x0;
	s5 =	sld [smem:$0x3FA7]  }
0x2b: {  	s6 =	sld [smem:$0x3FA8]  }
0x2c: {  	s7 =	sld [smem:$0x3FA9]  }
0x2d: {  	s3 =	simm.s32 $0x108;
	s8 =	sld [smem:$0x3FAA]  }
0x2e: {  	s3 =	simm.s32 @!p0 $0x1082;
	s9 =	sld [smem:$0x3FAB]  }
0x2f: {  	lr =	sadd.s32 s0, s3;
	s0 =	sld [smem:$0x3FA2]  }
0x30: {  	s3 =	sld [smem:$0x3FA5]  }
0x31: {  	[smem:$0x3FAE] =	sst s10  }
0x32: {  	s10 =	sld [smem:$0x3FAC];
	_ =	sdelay $0x3  }
0x33: {  	p0 =	seq.s32 s10, $0x1;
	s10 =	sld [smem:$0x3FAE];
	_ =	sdelay $0x3  }
0x34: {  	[smem:$0x3FAE] =	sst s10  }
0x35: {  	s10 =	sld [smem:$0x3FAD];
	_ =	sdelay $0x3  }
0x36: {  	p1 =	seq.s32 s10, $0x1;
	s10 =	sld [smem:$0x3FAE];
	_ =	sdelay $0x3  }
0x37: {  	[smem:$0x3FAE] =	sst s10  }
0x38: {  	s10 =	sld [smem:$0x3FAF]  }
0x39: {  	_ = 	snop;
	(pc) =	sbr.ind lr, $3  }
0x3a: {  	_ = 	snop  }
0x3b: {  	_ = 	snop  }
0x3c: {  	p2 =	seq.s32 s10, $0x1;
	s10 =	sld [smem:$0x3FAE]  }
0x3d: {  	_ =	shalt  }
0x3e: {  	_ =	shalt  }
0x3f: {  	_ =	shalt  }
0x40: {  	_ =	shalt  }
0x41: {  	_ =	shalt  }
0x42: {  	_ =	shalt  }
0x43: {  	_ =	shalt  }
0x44: {  	_ =	shalt  }
0x45: {  	_ =	shalt  }
0x46: {  	_ =	shalt  }
0x47: {  	_ =	shalt  }
0x48: {  	_ =	shalt  }
0x49: {  	_ =	shalt  }
0x4a: {  	_ =	shalt  }
0x4b: {  	_ =	shalt  }
0x4c: {  	_ =	shalt  }
0x4d: {  	_ =	shalt  }
0x4e: {  	_ =	shalt  }
0x4f: {  	_ =	shalt  }
0x50: {  	_ =	shalt  }
0x51: {  	_ =	shalt  }
0x52: {  	_ =	shalt  }
0x53: {  	_ =	shalt  }
0x54: {  	_ =	shalt  }
0x55: {  	_ =	shalt  }
0x56: {  	_ =	shalt  }
0x57: {  	_ =	shalt  }
0x58: {  	_ =	shalt  }
0x59: {  	_ =	shalt  }
0x5a: {  	_ =	shalt  }
0x5b: {  	_ =	shalt  }
0x5c: {  	_ =	shalt  }
0x5d: {  	_ =	shalt  }
0x5e: {  	_ =	shalt  }
0x5f: {  	_ =	shalt  }
0x60: {  	_ =	shalt  }
0x61: {  	_ =	shalt  }
0x62: {  	_ =	shalt  }
0x63: {  	_ =	shalt  }
0x64: {  	_ =	shalt  }
0x65: {  	_ =	shalt  }
0x66: {  	_ =	shalt  }
0x67: {  	_ =	shalt  }
0x68: {  	_ =	shalt  }
0x69: {  	_ =	shalt  }
0x6a: {  	_ =	shalt  }
0x6b: {  	_ =	shalt  }
0x6c: {  	_ =	shalt  }
0x6d: {  	_ =	shalt  }
0x6e: {  	_ =	shalt  }
0x6f: {  	_ =	shalt  }
0x70: {  	_ =	shalt  }
0x71: {  	_ =	shalt  }
0x72: {  	_ =	shalt  }
0x73: {  	_ =	shalt  }
0x74: {  	_ =	shalt  }
0x75: {  	_ =	shalt  }
0x76: {  	_ =	shalt  }
0x77: {  	_ =	shalt  }
0x78: {  	_ =	shalt  }
0x79: {  	_ =	shalt  }
0x7a: {  	_ =	shalt  }
0x7b: {  	_ =	shalt  }
0x7c: {  	_ =	shalt  }
0x7d: {  	_ =	shalt  }
0x7e: {  	_ =	shalt  }
0x7f: {  	_ =	shalt  }
0x80: {  	_ =	shalt  }
0x81: {  	_ =	shalt  }
0x82: {  	_ =	shalt  }
0x83: {  	_ =	shalt  }
0x84: {  	_ =	shalt  }
0x85: {  	_ =	shalt  }
0x86: {  	_ =	shalt  }
0x87: {  	_ =	shalt  }
.Lfunc_end0:
.L_simem_size_0:
called_computation_lowered:
.L_overlay_start_0:
0x88: {  	s2 =	sld [smem:$0x3FD9]  }
0x89: {  	s3 =	sld [smem:$0x3FFE];
	_ =	sdelay $0x1  }
0x8a: {  	s1 =	srdreg.scid  }
0x8b: {  	s0 =	sand.u32 $0x1, s1  }
0x8c: {  	s17 =	sshll.u32 s0, $0xA;
	s2 =	sadd.s32 s3, s2  }
0x8d: {  	s2 =	sadd.s32 s2, s17  }
0x8e: {  	[smem:$0x3FBA] =	sst s2  }
0x8f: {  	_ = 	snop  }
0x90: {  	s2 =	sld [smem:$0x3FC9]  }
0x91: {  	s18 =	sld [smem:$0x3FC8]  }
0x92: {  	s4 =	sld [smem:$0x3FC7]  }
0x93: {  	s5 =	sld [smem:$0x3FC6]  }
0x94: {  	s6 =	sld [smem:$0x3FC5]  }
0x95: {  	s7 =	sld [smem:$0x3FC4];
	(tm) =	ssettm $0x1  }
0x96: {  	s8 =	sld [smem:$0x3FFB];
	_ =	sdelay $0x3  }
0x97: {  	_ =	strace s8  }
0x98: {  	s8 =	sld [smem:$0x3FFC];
	_ =	sdelay $0x3  }
0x99: {  	_ =	strace s8  }
0x9a: {  	s8 =	sld [smem:$0x3FFD];
	_ =	sdelay $0x3  }
0x9b: {  	_ =	strace s8  }
0x9c: {  	_ =	strace $0x8FFFFFFF  }
0x9d: {  	s19 =	sld [smem:$0x3FDB];
	_ =	sdelay $0x1  }
0x9e: {  	s9 =	simm.s32 $_scs_section_size  }
0x9f: {  	s10 =	simm.s32 $_size__tile_overlayer_lowered;
	s11 =	simm.s32 $_tile_overlayer_lowered  }
0xa0: {  	s22 =	simm.s32 $0x1BFF;
	s21 =	sshll.u32 s11, $0x1;
	s8 =	sadd.s32 s9, s19  }
0xa1: {  	s12 =	simm.s32 $0x0;
	s20 =	sshll.u32 s10, $0x1;
	s10 =	sadd.s32 s21, s8  }
0xa2: {  	[timem:s12], [sflag:s22] =	dma.local [hbm:s10], s20  }
0xa3: {  	_ =	swait.ge [sflag:s22], s20  }
0xa4: {  	s9 =	ssub.s32 $0x0, s20;
	[sflag:s22] =	ssyncset.done $0x0  }
0xa5: {  	[sflag:s22] =	ssyncadd.s32 s9;
	_ =	sdelay $0x1  }
0xa6: {  	s23 =	simm.s32 $0x1B8B  }
0xa7: {  	_ =	swait.ge [sflag:s23], $0x1  }
0xa8: {  	[sflag:s23] =	ssyncset.done $0x0  }
0xa9: {  	s25 =	simm.s32 $0x1B8E;
	s24 =	sld [smem:$0x3FFE];
	[sflag:s23] =	ssyncadd.s32 $0xFFFFFFFF  }
0xaa: {  	s26 =	simm.s32 $execute0_lowered;
	[smem:$0x3FD2] =	sst s25  }
0xab: {  	s10 =	sshll.u32 s26, $0x1;
	_ =	strace $0x80000046;
	[dreg:$0x1] =	wrdreg $0xFFFFFFFF  }
0xac: {  	s28 =	simm.s32 $_size_execute0_lowered;
	s8 =	sadd.s32 s8, s10;
	[dreg:$0x0] =	wrdreg $0x0  }
0xad: {  	s10 =	sshll.u32 s28, $0x1;
	[dreg:$0x2] =	wrdreg s8  }
0xae: {  	[dreg:$0x3] =	wrdreg s10  }
0xaf: {  	[dreg:$0x4] =	wrdreg $0xC0  }
0xb0: {  	_ =	task [dreg:s12], $0x5FFFF  }
0xb1: {  	[dreg:$0x1] =	wrdreg $0xFFFFFFFF  }
0xb2: {  	[dreg:$0x0] =	wrdreg $0x60  }
0xb3: {  	[dreg:$0x2] =	wrdreg s2  }
0xb4: {  	[dreg:$0x3] =	wrdreg s18  }
0xb5: {  	[dreg:$0x4] =	wrdreg s4  }
0xb6: {  	[dreg:$0x5] =	wrdreg s5  }
0xb7: {  	[dreg:$0x6] =	wrdreg s6  }
0xb8: {  	[dreg:$0x7] =	wrdreg s7  }
0xb9: {  	[dreg:$0x8] =	wrdreg s24  }
0xba: {  	[dreg:$0x9] =	wrdreg $0x9  }
0xbb: {  	_ =	task.clear_ibuf [dreg:s12], $0xAFFFF;
	_ =	strace $0x90000046  }
0xbc: {  	s29 =	simm.s32 $0x9;
	_ =	strace $0x80000048  }
0xbd: {  	_ =	swait.ge [sflag:s29], $0x1  }
0xbe: {  	[sflag:s29] =	ssyncadd.s32 $0xFFFFFFFF  }
0xbf: {  	_ =	strace $0x90000048  }
0xc0: {  	_ =	sfence  }
0xc1: {  	s30 =	sld [smem:$0x0];
	_ =	sdelay $0x2  }
0xc2: {  	s31 =	sshll.u32 s1, $0xD;
	s1 =	sshrl.u32 s1, $0x2  }
0xc3: {  	s3 =	sand.u32 $0x4000, s31;
	s1 =	sadd.s32 s1, s30  }
0xc4: {  	s0 =	sor.u32 s3, s0;
	s1 =	sshll.u32 s1, $0x11  }
0xc5: {  	s0 =	sor.u32 s1, s0  }
0xc6: {  	s0 =	sadd.s32 $0x8F2B, s0  }
0xc7: {  	[sflag:s0] =	ssyncadd.remote.s32 $0x1  }
0xc8: {  	_ =	sfence.sel $0xFFFF  }
0xc9: {  	[dreg:$0x0] =	wrdreg $0xFFFFFFFF;
	(pc) =	sbr.abs _section_cstart, $3  }
0xca: {  	[dreg:$0x1] =	wrdreg $0xFFFFFFFF  }
0xcb: {  	_ =	task.clear_ibuf [dreg:s12], $0x2FFFF;
	_ =	strace $0x9FFFFFFF  }
0xcc: {  	(tm) =	ssettm $0x7FFFFFFF  }
0xcd: {  	_ =	shalt  }
tec
execute0_lowered:
.L_overlay_start_1:
0x0: {  	(tag) =	ssettag $0x1  }
0x1: {  	s0 =	rddreg [dreg:$0x0]  }
0x2: {  	s2 =	rddreg [dreg:$0x1]  }
0x3: {  	s5 =	rddreg [dreg:$0x2]  }
0x4: {  	s12 =	rddreg [dreg:$0x3]  }
0x5: {  	s9 =	rddreg [dreg:$0x4]  }
0x6: {  	s16 =	rddreg [dreg:$0x5]  }
0x7: {  	s6 =	rddreg [dreg:$0x6]  }
0x8: {  	s1 =	rddreg [dreg:$0x7];
	s3 =	simm.s32 $0x0  }
0x9: {  	s7 =	srdreg.scid;
	s4 =	stileid.u32;
	s23 =	simm.s32 $0x18700  }
0xa: {  	s24 =	simm.s32 $0x1A700;
	s25 =	simm.s32 $0x0;
	[smem:$0x7FF] =	sst s3  }
0xb: {  	s8 =	sadd.s32 $0x2000, s6;
	s15 =	sadd.s32 $0x12000, s6;
	s7 =	sand.u32 $0x1, s7  }
0xc: {  	s10 =	sshrl.u32 s4, $0x2;
	s11 =	sshll.u32 s4, $0x8;
	s17 =	sadd.s32 $0x22000, s6  }
0xd: {  	s18 =	sadd.s32 $0x32000, s6;
	_ =	strace $0x80000047;
	s13 =	sshll.u32 s7, $0x7  }
0xe: {  	s11 =	sand.u32 $0x300, s11;
	s14 =	smul.u32 $0xC3800, s10;
	s7 =	ssub.s32 $0x2, s7  }
0xf: {  	s10 =	sshll.u32 s10, $0x11;
	s30 =	sor.u32 s13, s11;
	s31 =	sshrl.u32 s7, $0x1  }
0x10: {  	s11 =	sor.u32 s14, s30;
	s6 =	sor.u32 s10, s30;
	s20 =	ssub.s32 s7, s31  }
0x11: {  	s7 =	sadd.s32 $0x400, s0;
	s19 =	sshrl.u32 s11, $0x3;
	s21 =	sshrl.u32 s6, $0x3  }
0x12: {  	s14 =	sadd.s32 $0x400, s2;
	s5 =	sadd.s32 s5, s19;
	s6 =	sadd.s32 s8, s21  }
0x13: {  	s22 =	sor.u32 $0x2000, s21;
	s9 =	sadd.s32 s9, s19;
	s10 =	sadd.s32 s17, s21  }
0x14: {  	s12 =	sadd.s32 s12, s19;
	s13 =	sadd.s32 s15, s21;
	s16 =	sadd.s32 s16, s19  }
0x15: {  	s19 =	smax.u32 s20, $0x1;
	s20 =	simm.s32 $0x80;
	s8 =	sadd.s32 s8, s22  }
0x16: {  	s11 =	sadd.s32 s17, s22;
	s15 =	sadd.s32 s15, s22;
	s17 =	sadd.s32 s18, s21  }
0x17: {  	s18 =	sadd.s32 s18, s22;
	s21 =	simm.s32 $0x400;
	s22 =	simm.s32 $0x1  }
.LBB2_1:
0x18: {  	[tilespmem:s3], [sflag:$0x1] =	stream.strided.gather [hbm4b:s5+s20], $0x18700, s21, s20, $0x38;
	[tilespmem:$0x1C700] =	vst v63  }
0x19: {  	_ =	swait.ge [sflag:s22], $0x18700  }
0x1a: {  	[sflag:s22] =	ssyncset.done $0x0  }
0x1b: {  	[sflag:s22] =	ssyncadd.s32 $0xFFFE7900  }
0x1c: {  	[tilespmem:s23], [sflag:$0x1] =	stream.linear.gather [hbm4b:s0+s3], $0x2000, $0x38;
	[tilespmem:$0x1C700] =	vst v63  }
0x1d: {  	_ =	swait.ge [sflag:s22], $0x2000  }
0x1e: {  	s26 =	simm.s32 $0xFFFFFFFC;
	[sflag:s22] =	ssyncset.done $0x0  }
0x1f: {  	s28 =	simm.s32 $0x1A720;
	s29 =	simm.s32 $0x18720;
	[sflag:s22] =	ssyncadd.s32 $0xFFFFE000  }
.LBB2_2:
0x20: {  	v0 =	vld [tilespmem:s29+$0xFFFFFFE0];
	_ =	sdelay $0x7  }
0x21: {  	v0 =	vld.idx.msk [tilespmem:v0+s3+$0x0], $0xffff;
	_ =	sdelay $0x4  }
0x22: {  	[tilespmem:s28+$0xFFFFFFE0] =	vst v0  }
0x23: {  	v0 =	vld [tilespmem:s29+$0xFFFFFFF0];
	_ =	sdelay $0x7  }
0x24: {  	v0 =	vld.idx.msk [tilespmem:v0+s3+$0x0], $0xffff;
	_ =	sdelay $0x4  }
0x25: {  	[tilespmem:s28+$0xFFFFFFF0] =	vst v0  }
0x26: {  	v0 =	vld [tilespmem:s29+$0x0];
	_ =	sdelay $0x7  }
0x27: {  	v0 =	vld.idx.msk [tilespmem:v0+s3+$0x0], $0xffff;
	_ =	sdelay $0x4  }
0x28: {  	[tilespmem:s28+$0x0] =	vst v0  }
0x29: {  	v0 =	vld [tilespmem:s29+$0x10];
	_ =	sdelay $0x6  }
0x2a: {  	s26 =	sadd.s32 $0x4, s26  }
0x2b: {  	p0 =	slt.u32 s26, $0x1FC;
	v0 =	vld.idx.msk [tilespmem:v0+s3+$0x0], $0xffff  }
.Ltmp0:
0x2c: {  	_ = 	snop;
	(pc) =	sbr.rel @p0 .LBB2_2-.Ltmp0, $2  }
0x2d: {  	_ =	sdelay $0x2  }
0x2e: {  	s29 =	sadd.s32 $0x40, s29;
	[tilespmem:s28+$0x10] =	vst v0;
	s28 =	sadd.s32 $0x40, s28  }
0x2f: {  	[hbm4b:s6+s20] =	stream.strided.scatter [tilespmem:s24], [sflag:$0x1], $0x2000, s21, s20, $0x38;
	[tilespmem:$0x1C700] =	vst v63  }
0x30: {  	_ =	swait.ge [sflag:s22], $0x2000  }
0x31: {  	[sflag:s22] =	ssyncset.done $0x0  }
0x32: {  	[sflag:s22] =	ssyncadd.s32 $0xFFFFE000  }
0x33: {  	[tilespmem:s23], [sflag:$0x1] =	stream.linear.gather [hbm4b:s7+s3], $0x2000, $0x38;
	[tilespmem:$0x1C700] =	vst v63  }
0x34: {  	_ =	swait.ge [sflag:s22], $0x2000  }
0x35: {  	s26 =	simm.s32 $0xFFFFFFFC;
	[sflag:s22] =	ssyncset.done $0x0  }
0x36: {  	s28 =	simm.s32 $0x1A720;
	s29 =	simm.s32 $0x18720;
	[sflag:s22] =	ssyncadd.s32 $0xFFFFE000  }
.LBB2_4:
0x37: {  	v0 =	vld [tilespmem:s29+$0xFFFFFFE0];
	_ =	sdelay $0x7  }
0x38: {  	v0 =	vld.idx.msk [tilespmem:v0+s3+$0x0], $0xffff;
	_ =	sdelay $0x4  }
0x39: {  	[tilespmem:s28+$0xFFFFFFE0] =	vst v0  }
0x3a: {  	v0 =	vld [tilespmem:s29+$0xFFFFFFF0];
	_ =	sdelay $0x7  }
0x3b: {  	v0 =	vld.idx.msk [tilespmem:v0+s3+$0x0], $0xffff;
	_ =	sdelay $0x4  }
0x3c: {  	[tilespmem:s28+$0xFFFFFFF0] =	vst v0  }
0x3d: {  	v0 =	vld [tilespmem:s29+$0x0];
	_ =	sdelay $0x7  }
0x3e: {  	v0 =	vld.idx.msk [tilespmem:v0+s3+$0x0], $0xffff;
	_ =	sdelay $0x4  }
0x3f: {  	[tilespmem:s28+$0x0] =	vst v0  }
0x40: {  	v0 =	vld [tilespmem:s29+$0x10];
	_ =	sdelay $0x6  }
0x41: {  	s26 =	sadd.s32 $0x4, s26  }
0x42: {  	p0 =	slt.u32 s26, $0x1FC;
	v0 =	vld.idx.msk [tilespmem:v0+s3+$0x0], $0xffff  }
.Ltmp1:
0x43: {  	_ = 	snop;
	(pc) =	sbr.rel @p0 .LBB2_4-.Ltmp1, $2  }
0x44: {  	_ =	sdelay $0x2  }
0x45: {  	s29 =	sadd.s32 $0x40, s29;
	[tilespmem:s28+$0x10] =	vst v0;
	s28 =	sadd.s32 $0x40, s28  }
0x46: {  	[hbm4b:s8+s20] =	stream.strided.scatter [tilespmem:s24], [sflag:$0x1], $0x2000, s21, s20, $0x38;
	[tilespmem:$0x1C700] =	vst v63  }
0x47: {  	_ =	swait.ge [sflag:s22], $0x2000  }
0x48: {  	[sflag:s22] =	ssyncset.done $0x0  }
0x49: {  	[sflag:s22] =	ssyncadd.s32 $0xFFFFE000  }
0x4a: {  	[tilespmem:s3], [sflag:$0x1] =	stream.strided.gather [hbm4b:s9+s20], $0x18700, s21, s20, $0x38;
	[tilespmem:$0x1C700] =	vst v63  }
0x4b: {  	_ =	swait.ge [sflag:s22], $0x18700  }
0x4c: {  	[sflag:s22] =	ssyncset.done $0x0  }
0x4d: {  	[sflag:s22] =	ssyncadd.s32 $0xFFFE7900  }
0x4e: {  	[tilespmem:s23], [sflag:$0x1] =	stream.linear.gather [hbm4b:s0+s3], $0x2000, $0x38;
	[tilespmem:$0x1C700] =	vst v63  }
0x4f: {  	_ =	swait.ge [sflag:s22], $0x2000  }
0x50: {  	s26 =	simm.s32 $0xFFFFFFFC;
	[sflag:s22] =	ssyncset.done $0x0  }
0x51: {  	s28 =	simm.s32 $0x1A720;
	s29 =	simm.s32 $0x18720;
	[sflag:s22] =	ssyncadd.s32 $0xFFFFE000  }
.LBB2_6:
0x52: {  	v0 =	vld [tilespmem:s29+$0xFFFFFFE0];
	_ =	sdelay $0x7  }
0x53: {  	v0 =	vld.idx.msk [tilespmem:v0+s3+$0x0], $0xffff;
	_ =	sdelay $0x4  }
0x54: {  	[tilespmem:s28+$0xFFFFFFE0] =	vst v0  }
0x55: {  	v0 =	vld [tilespmem:s29+$0xFFFFFFF0];
	_ =	sdelay $0x7  }
0x56: {  	v0 =	vld.idx.msk [tilespmem:v0+s3+$0x0], $0xffff;
	_ =	sdelay $0x4  }
0x57: {  	[tilespmem:s28+$0xFFFFFFF0] =	vst v0  }
0x58: {  	v0 =	vld [tilespmem:s29+$0x0];
	_ =	sdelay $0x7  }
0x59: {  	v0 =	vld.idx.msk [tilespmem:v0+s3+$0x0], $0xffff;
	_ =	sdelay $0x4  }
0x5a: {  	[tilespmem:s28+$0x0] =	vst v0  }
0x5b: {  	v0 =	vld [tilespmem:s29+$0x10];
	_ =	sdelay $0x6  }
0x5c: {  	s26 =	sadd.s32 $0x4, s26  }
0x5d: {  	p0 =	slt.u32 s26, $0x1FC;
	v0 =	vld.idx.msk [tilespmem:v0+s3+$0x0], $0xffff  }
.Ltmp2:
0x5e: {  	_ = 	snop;
	(pc) =	sbr.rel @p0 .LBB2_6-.Ltmp2, $2  }
0x5f: {  	_ =	sdelay $0x2  }
0x60: {  	s29 =	sadd.s32 $0x40, s29;
	[tilespmem:s28+$0x10] =	vst v0;
	s28 =	sadd.s32 $0x40, s28  }
0x61: {  	[hbm4b:s10+s20] =	stream.strided.scatter [tilespmem:s24], [sflag:$0x1], $0x2000, s21, s20, $0x38;
	[tilespmem:$0x1C700] =	vst v63  }
0x62: {  	_ =	swait.ge [sflag:s22], $0x2000  }
0x63: {  	[sflag:s22] =	ssyncset.done $0x0  }
0x64: {  	[sflag:s22] =	ssyncadd.s32 $0xFFFFE000  }
0x65: {  	[tilespmem:s23], [sflag:$0x1] =	stream.linear.gather [hbm4b:s7+s3], $0x2000, $0x38;
	[tilespmem:$0x1C700] =	vst v63  }
0x66: {  	_ =	swait.ge [sflag:s22], $0x2000  }
0x67: {  	s26 =	simm.s32 $0xFFFFFFFC;
	[sflag:s22] =	ssyncset.done $0x0  }
0x68: {  	s28 =	simm.s32 $0x1A720;
	s29 =	simm.s32 $0x18720;
	[sflag:s22] =	ssyncadd.s32 $0xFFFFE000  }
.LBB2_8:
0x69: {  	v0 =	vld [tilespmem:s29+$0xFFFFFFE0];
	_ =	sdelay $0x7  }
0x6a: {  	v0 =	vld.idx.msk [tilespmem:v0+s3+$0x0], $0xffff;
	_ =	sdelay $0x4  }
0x6b: {  	[tilespmem:s28+$0xFFFFFFE0] =	vst v0  }
0x6c: {  	v0 =	vld [tilespmem:s29+$0xFFFFFFF0];
	_ =	sdelay $0x7  }
0x6d: {  	v0 =	vld.idx.msk [tilespmem:v0+s3+$0x0], $0xffff;
	_ =	sdelay $0x4  }
0x6e: {  	[tilespmem:s28+$0xFFFFFFF0] =	vst v0  }
0x6f: {  	v0 =	vld [tilespmem:s29+$0x0];
	_ =	sdelay $0x7  }
0x70: {  	v0 =	vld.idx.msk [tilespmem:v0+s3+$0x0], $0xffff;
	_ =	sdelay $0x4  }
0x71: {  	[tilespmem:s28+$0x0] =	vst v0  }
0x72: {  	v0 =	vld [tilespmem:s29+$0x10];
	_ =	sdelay $0x6  }
0x73: {  	s26 =	sadd.s32 $0x4, s26  }
0x74: {  	p0 =	slt.u32 s26, $0x1FC;
	v0 =	vld.idx.msk [tilespmem:v0+s3+$0x0], $0xffff  }
.Ltmp3:
0x75: {  	_ = 	snop;
	(pc) =	sbr.rel @p0 .LBB2_8-.Ltmp3, $2  }
0x76: {  	_ =	sdelay $0x2  }
0x77: {  	s29 =	sadd.s32 $0x40, s29;
	[tilespmem:s28+$0x10] =	vst v0;
	s28 =	sadd.s32 $0x40, s28  }
0x78: {  	[hbm4b:s11+s20] =	stream.strided.scatter [tilespmem:s24], [sflag:$0x1], $0x2000, s21, s20, $0x38;
	[tilespmem:$0x1C700] =	vst v63  }
0x79: {  	_ =	swait.ge [sflag:s22], $0x2000  }
0x7a: {  	[sflag:s22] =	ssyncset.done $0x0  }
0x7b: {  	[sflag:s22] =	ssyncadd.s32 $0xFFFFE000  }
0x7c: {  	[tilespmem:s3], [sflag:$0x1] =	stream.strided.gather [hbm4b:s12+s20], $0x18700, s21, s20, $0x38;
	[tilespmem:$0x1C700] =	vst v63  }
0x7d: {  	_ =	swait.ge [sflag:s22], $0x18700  }
0x7e: {  	[sflag:s22] =	ssyncset.done $0x0  }
0x7f: {  	[sflag:s22] =	ssyncadd.s32 $0xFFFE7900  }
0x80: {  	[tilespmem:s23], [sflag:$0x1] =	stream.linear.gather [hbm4b:s2+s3], $0x2000, $0x38;
	[tilespmem:$0x1C700] =	vst v63  }
0x81: {  	_ =	swait.ge [sflag:s22], $0x2000  }
0x82: {  	s26 =	simm.s32 $0xFFFFFFFC;
	[sflag:s22] =	ssyncset.done $0x0  }
0x83: {  	s28 =	simm.s32 $0x1A720;
	s29 =	simm.s32 $0x18720;
	[sflag:s22] =	ssyncadd.s32 $0xFFFFE000  }
.LBB2_10:
0x84: {  	v0 =	vld [tilespmem:s29+$0xFFFFFFE0];
	_ =	sdelay $0x7  }
0x85: {  	v0 =	vld.idx.msk [tilespmem:v0+s3+$0x0], $0xffff;
	_ =	sdelay $0x4  }
0x86: {  	[tilespmem:s28+$0xFFFFFFE0] =	vst v0  }
0x87: {  	v0 =	vld [tilespmem:s29+$0xFFFFFFF0];
	_ =	sdelay $0x7  }
0x88: {  	v0 =	vld.idx.msk [tilespmem:v0+s3+$0x0], $0xffff;
	_ =	sdelay $0x4  }
0x89: {  	[tilespmem:s28+$0xFFFFFFF0] =	vst v0  }
0x8a: {  	v0 =	vld [tilespmem:s29+$0x0];
	_ =	sdelay $0x7  }
0x8b: {  	v0 =	vld.idx.msk [tilespmem:v0+s3+$0x0], $0xffff;
	_ =	sdelay $0x4  }
0x8c: {  	[tilespmem:s28+$0x0] =	vst v0  }
0x8d: {  	v0 =	vld [tilespmem:s29+$0x10];
	_ =	sdelay $0x6  }
0x8e: {  	s26 =	sadd.s32 $0x4, s26  }
0x8f: {  	p0 =	slt.u32 s26, $0x1FC;
	v0 =	vld.idx.msk [tilespmem:v0+s3+$0x0], $0xffff  }
.Ltmp4:
0x90: {  	_ = 	snop;
	(pc) =	sbr.rel @p0 .LBB2_10-.Ltmp4, $2  }
0x91: {  	_ =	sdelay $0x2  }
0x92: {  	s29 =	sadd.s32 $0x40, s29;
	[tilespmem:s28+$0x10] =	vst v0;
	s28 =	sadd.s32 $0x40, s28  }
0x93: {  	[hbm4b:s13+s20] =	stream.strided.scatter [tilespmem:s24], [sflag:$0x1], $0x2000, s21, s20, $0x38;
	[tilespmem:$0x1C700] =	vst v63  }
0x94: {  	_ =	swait.ge [sflag:s22], $0x2000  }
0x95: {  	[sflag:s22] =	ssyncset.done $0x0  }
0x96: {  	[sflag:s22] =	ssyncadd.s32 $0xFFFFE000  }
0x97: {  	[tilespmem:s23], [sflag:$0x1] =	stream.linear.gather [hbm4b:s14+s3], $0x2000, $0x38;
	[tilespmem:$0x1C700] =	vst v63  }
0x98: {  	_ =	swait.ge [sflag:s22], $0x2000  }
0x99: {  	s26 =	simm.s32 $0xFFFFFFFC;
	[sflag:s22] =	ssyncset.done $0x0  }
0x9a: {  	s28 =	simm.s32 $0x1A720;
	s29 =	simm.s32 $0x18720;
	[sflag:s22] =	ssyncadd.s32 $0xFFFFE000  }
.LBB2_12:
0x9b: {  	v0 =	vld [tilespmem:s29+$0xFFFFFFE0];
	_ =	sdelay $0x7  }
0x9c: {  	v0 =	vld.idx.msk [tilespmem:v0+s3+$0x0], $0xffff;
	_ =	sdelay $0x4  }
0x9d: {  	[tilespmem:s28+$0xFFFFFFE0] =	vst v0  }
0x9e: {  	v0 =	vld [tilespmem:s29+$0xFFFFFFF0];
	_ =	sdelay $0x7  }
0x9f: {  	v0 =	vld.idx.msk [tilespmem:v0+s3+$0x0], $0xffff;
	_ =	sdelay $0x4  }
0xa0: {  	[tilespmem:s28+$0xFFFFFFF0] =	vst v0  }
0xa1: {  	v0 =	vld [tilespmem:s29+$0x0];
	_ =	sdelay $0x7  }
0xa2: {  	v0 =	vld.idx.msk [tilespmem:v0+s3+$0x0], $0xffff;
	_ =	sdelay $0x4  }
0xa3: {  	[tilespmem:s28+$0x0] =	vst v0  }
0xa4: {  	v0 =	vld [tilespmem:s29+$0x10];
	_ =	sdelay $0x6  }
0xa5: {  	s26 =	sadd.s32 $0x4, s26  }
0xa6: {  	p0 =	slt.u32 s26, $0x1FC;
	v0 =	vld.idx.msk [tilespmem:v0+s3+$0x0], $0xffff  }
.Ltmp5:
0xa7: {  	_ = 	snop;
	(pc) =	sbr.rel @p0 .LBB2_12-.Ltmp5, $2  }
0xa8: {  	_ =	sdelay $0x2  }
0xa9: {  	s29 =	sadd.s32 $0x40, s29;
	[tilespmem:s28+$0x10] =	vst v0;
	s28 =	sadd.s32 $0x40, s28  }
0xaa: {  	[hbm4b:s15+s20] =	stream.strided.scatter [tilespmem:s24], [sflag:$0x1], $0x2000, s21, s20, $0x38;
	[tilespmem:$0x1C700] =	vst v63  }
0xab: {  	_ =	swait.ge [sflag:s22], $0x2000  }
0xac: {  	[sflag:s22] =	ssyncset.done $0x0  }
0xad: {  	[sflag:s22] =	ssyncadd.s32 $0xFFFFE000  }
0xae: {  	[tilespmem:s3], [sflag:$0x1] =	stream.strided.gather [hbm4b:s16+s20], $0x18700, s21, s20, $0x38;
	[tilespmem:$0x1C700] =	vst v63  }
0xaf: {  	_ =	swait.ge [sflag:s22], $0x18700  }
0xb0: {  	[sflag:s22] =	ssyncset.done $0x0  }
0xb1: {  	[sflag:s22] =	ssyncadd.s32 $0xFFFE7900  }
0xb2: {  	[tilespmem:s23], [sflag:$0x1] =	stream.linear.gather [hbm4b:s2+s3], $0x2000, $0x38;
	[tilespmem:$0x1C700] =	vst v63  }
0xb3: {  	_ =	swait.ge [sflag:s22], $0x2000  }
0xb4: {  	s26 =	simm.s32 $0xFFFFFFFC;
	[sflag:s22] =	ssyncset.done $0x0  }
0xb5: {  	s28 =	simm.s32 $0x1A720;
	s29 =	simm.s32 $0x18720;
	[sflag:s22] =	ssyncadd.s32 $0xFFFFE000  }
.LBB2_14:
0xb6: {  	v0 =	vld [tilespmem:s29+$0xFFFFFFE0];
	_ =	sdelay $0x7  }
0xb7: {  	v0 =	vld.idx.msk [tilespmem:v0+s3+$0x0], $0xffff;
	_ =	sdelay $0x4  }
0xb8: {  	[tilespmem:s28+$0xFFFFFFE0] =	vst v0  }
0xb9: {  	v0 =	vld [tilespmem:s29+$0xFFFFFFF0];
	_ =	sdelay $0x7  }
0xba: {  	v0 =	vld.idx.msk [tilespmem:v0+s3+$0x0], $0xffff;
	_ =	sdelay $0x4  }
0xbb: {  	[tilespmem:s28+$0xFFFFFFF0] =	vst v0  }
0xbc: {  	v0 =	vld [tilespmem:s29+$0x0];
	_ =	sdelay $0x7  }
0xbd: {  	v0 =	vld.idx.msk [tilespmem:v0+s3+$0x0], $0xffff;
	_ =	sdelay $0x4  }
0xbe: {  	[tilespmem:s28+$0x0] =	vst v0  }
0xbf: {  	v0 =	vld [tilespmem:s29+$0x10];
	_ =	sdelay $0x6  }
0xc0: {  	s26 =	sadd.s32 $0x4, s26  }
0xc1: {  	p0 =	slt.u32 s26, $0x1FC;
	v0 =	vld.idx.msk [tilespmem:v0+s3+$0x0], $0xffff  }
.Ltmp6:
0xc2: {  	_ = 	snop;
	(pc) =	sbr.rel @p0 .LBB2_14-.Ltmp6, $2  }
0xc3: {  	_ =	sdelay $0x2  }
0xc4: {  	s29 =	sadd.s32 $0x40, s29;
	[tilespmem:s28+$0x10] =	vst v0;
	s28 =	sadd.s32 $0x40, s28  }
0xc5: {  	[hbm4b:s17+s20] =	stream.strided.scatter [tilespmem:s24], [sflag:$0x1], $0x2000, s21, s20, $0x38;
	[tilespmem:$0x1C700] =	vst v63  }
0xc6: {  	_ =	swait.ge [sflag:s22], $0x2000  }
0xc7: {  	[sflag:s22] =	ssyncset.done $0x0  }
0xc8: {  	[sflag:s22] =	ssyncadd.s32 $0xFFFFE000  }
0xc9: {  	[tilespmem:s23], [sflag:$0x1] =	stream.linear.gather [hbm4b:s14+s3], $0x2000, $0x38;
	[tilespmem:$0x1C700] =	vst v63  }
0xca: {  	_ =	swait.ge [sflag:s22], $0x2000  }
0xcb: {  	s26 =	simm.s32 $0xFFFFFFFC;
	[sflag:s22] =	ssyncset.done $0x0  }
0xcc: {  	s28 =	simm.s32 $0x1A720;
	s29 =	simm.s32 $0x18720;
	[sflag:s22] =	ssyncadd.s32 $0xFFFFE000  }
.LBB2_16:
0xcd: {  	v0 =	vld [tilespmem:s29+$0xFFFFFFE0];
	_ =	sdelay $0x7  }
0xce: {  	v0 =	vld.idx.msk [tilespmem:v0+s3+$0x0], $0xffff;
	_ =	sdelay $0x4  }
0xcf: {  	[tilespmem:s28+$0xFFFFFFE0] =	vst v0  }
0xd0: {  	v0 =	vld [tilespmem:s29+$0xFFFFFFF0];
	_ =	sdelay $0x7  }
0xd1: {  	v0 =	vld.idx.msk [tilespmem:v0+s3+$0x0], $0xffff;
	_ =	sdelay $0x4  }
0xd2: {  	[tilespmem:s28+$0xFFFFFFF0] =	vst v0  }
0xd3: {  	v0 =	vld [tilespmem:s29+$0x0];
	_ =	sdelay $0x7  }
0xd4: {  	v0 =	vld.idx.msk [tilespmem:v0+s3+$0x0], $0xffff;
	_ =	sdelay $0x4  }
0xd5: {  	[tilespmem:s28+$0x0] =	vst v0  }
0xd6: {  	v0 =	vld [tilespmem:s29+$0x10];
	_ =	sdelay $0x6  }
0xd7: {  	s26 =	sadd.s32 $0x4, s26  }
0xd8: {  	p0 =	slt.u32 s26, $0x1FC;
	v0 =	vld.idx.msk [tilespmem:v0+s3+$0x0], $0xffff  }
.Ltmp7:
0xd9: {  	_ = 	snop;
	(pc) =	sbr.rel @p0 .LBB2_16-.Ltmp7, $2  }
0xda: {  	_ =	sdelay $0x2  }
0xdb: {  	s29 =	sadd.s32 $0x40, s29;
	[tilespmem:s28+$0x10] =	vst v0;
	s28 =	sadd.s32 $0x40, s28  }
0xdc: {  	s25 =	sadd.s32 $0x1, s25  }
0xdd: {  	p0 =	sne.s32 s25, s19  }
.Ltmp8:
0xde: {  	_ = 	snop;
	(pc) =	sbr.rel @p0 .LBB2_1-.Ltmp8, $4  }
0xdf: {  	[hbm4b:s18+s20] =	stream.strided.scatter [tilespmem:s24], [sflag:$0x1], $0x2000, s21, s20, $0x38;
	[tilespmem:$0x1C700] =	vst v63  }
0xe0: {  	_ =	swait.ge [sflag:s22], $0x2000  }
0xe1: {  	[sflag:s22] =	ssyncset.done $0x0  }
0xe2: {  	[sflag:s22] =	ssyncadd.s32 $0xFFFFE000  }
0xe3: {  	_ =	sfence.sel $0x180000  }
0xe4: {  	[bflag:$0x0] =	sbarrier.arrive $0xFFFF  }
0xe5: {  	p0 =	sne.s32 s4, $0x0;
	_ =	strace $0x90000047  }
0xe6: {  	s0 =	sadd.s32 @!p0 $0x100000, s1;
	[bflag:$0x2] =	sbarrier.arrive $0xFFFF  }
0xe7: {  	[sflag:s0] =	ssyncadd.tile.s32 @!p0 $0x1;
	_ =	shalt  }
.Lfunc_end2:
_tile_overlayer_lowered:
.L_overlay_start_2:
0xe8: {  	(tag) =	ssettag $0x2  }
0xe9: {  	s0 =	rddreg [dreg:$0x0];
	s2 =	stileid.u32  }
0xea: {  	s1 =	rddreg [dreg:$0x1];
	p0 =	sne.s32 s2, $0x0  }
0xeb: {  	s3 =	rddreg [dreg:$0x2];
	[bflag:$0x3] =	sbarrier.arrive $0xFFFF;
	s2 =	simm.s32 @!p0 $0x1C01  }
0xec: {  	[timem:s3], [sflag:s2] =	dma.local @!p0 [hbm:s0], s1  }
0xed: {  	s0 =	simm.s32 @!p0 $0x1  }
0xee: {  	_ =	swait.ge @!p0 [sflag:s0], s1  }
0xef: {  	s1 =	ssub.s32 @!p0 $0x0, s1;
	[sflag:s0] =	ssyncset.done @!p0 $0x0  }
0xf0: {  	[sflag:s0] =	ssyncadd.s32 @!p0 s1  }
0xf1: {  	[bflag:$0x3] =	sbarrier.arrive $0xFFFF  }
0xf2: {  	_ =	shalt  }

</sc_bundles>
